<compile_context>
chip_gen: v7x
topology: tpu7x:2x2x1
jax: 0.10.2.dev20260603
libtpu: 0.0.44.dev20260713+nightly
codegen_flags: <defaults>
</compile_context>

<pallas_src>
import jax
import jax.numpy as jnp
from jax import lax
from jax.experimental import pallas as pl
from jax.experimental.pallas import tpu as pltpu
from jax.experimental.pallas import tpu_sc as plsc

NC = 2
NS = 16
N_ROWS = 100000
D = 128
NSEG = 512
DC = D // NC
BLK = 128
SEG_PT = NSEG // NS
S = 6

NSC = 81920
NFULL = NSC // BLK
OMAX = (NFULL // NS + S) // S + 1

BR = 512
GRID_TC = (N_ROWS - NSC + BR - 1) // BR
PAD_TC = GRID_TC * BR
TC_OFF = NSC // BR


def _sc_body(x_hbm, b_hbm, out_hbm, idx_v, buf_v, zero_v,
             sg0, sg1, sg2, sg3, sg4, sg5, ss0, ss1, ss2, ss3, ss4, ss5,
             shared):
    sem_g = (sg0, sg1, sg2, sg3, sg4, sg5)
    sem_s = (ss0, ss1, ss2, ss3, ss4, ss5)
    c = lax.axis_index("c")
    s = lax.axis_index("s")
    col0 = c * DC

    zeros = jnp.zeros((16,), jnp.float32)

    def zero_row(i, _):
        for j in range(DC // 16):
            zero_v[i, pl.ds(16 * j, 16)] = zeros
        return 0

    lax.fori_loop(0, SEG_PT, zero_row, 0)
    pltpu.sync_copy(zero_v, shared.at[pl.ds(s * SEG_PT, SEG_PT)])
    plsc.subcore_barrier()

    b0 = lax.div(NFULL * s, NS)
    b1 = lax.div(NFULL * (s + 1), NS)

    def gather(k, si):
        row0 = pl.multiple_of(k * BLK, 8)
        pltpu.async_copy(x_hbm.at[pl.ds(row0, BLK), pl.ds(col0, DC)],
                         buf_v.at[si], sem_g[si])
        pltpu.async_copy(b_hbm.at[pl.ds(row0, BLK)], idx_v.at[si], sem_g[si])

    def wait_g(si):
        pltpu.make_async_copy(x_hbm.at[pl.ds(0, BLK), pl.ds(0, DC)],
                              buf_v.at[si], sem_g[si]).wait()
        pltpu.make_async_copy(b_hbm.at[pl.ds(0, BLK)],
                              idx_v.at[si], sem_g[si]).wait()

    def scat(si):
        pltpu.async_copy(buf_v.at[si], shared.at[idx_v.at[si]], sem_s[si],
                         add=True)

    def wait_s(si):
        pltpu.make_async_copy(x_hbm.at[pl.ds(0, BLK), pl.ds(0, DC)],
                              buf_v.at[si], sem_s[si]).wait()

    gather(b0, 0)
    gather(b0 + 1, 1)
    gather(b0 + 2, 2)
    gather(b0 + 3, 3)

    def outer(o, _):
        for si in range(S):
            k = b0 + S * o + si

            @pl.when(k < b1)
            def _():
                wait_g(si)
                scat(si)
                j = k + 4
                sj = (si + 4) % S

                @pl.when(j < b1)
                def _():
                    @pl.when(j - S >= b0)
                    def _():
                        wait_s(sj)

                    gather(j, sj)
        return 0

    lax.fori_loop(0, OMAX, outer, 0)

    for si in range(S):
        wait_s(si)

    plsc.subcore_barrier()

    pltpu.sync_copy(shared.at[pl.ds(s * SEG_PT, SEG_PT)], zero_v)
    pltpu.sync_copy(zero_v,
                    out_hbm.at[pl.ds(s * SEG_PT, SEG_PT), pl.ds(col0, DC)])


def _tc_body(ids_ref, x_ref, out_ref):
    i = pl.program_id(0)
    ids = ids_ref[0, 0, :]
    rows = (TC_OFF + i) * BR + lax.broadcasted_iota(jnp.int32, (BR, 1), 0)
    xb = jnp.where(rows < N_ROWS, x_ref[...], 0.0)
    segs = lax.broadcasted_iota(jnp.int32, (NSEG, BR), 0)
    oh = (segs == ids[None, :]).astype(jnp.bfloat16)
    part = lax.dot_general(oh, xb.astype(jnp.bfloat16),
                           (((1,), (0,)), ((), ())),
                           preferred_element_type=jnp.float32)

    @pl.when(i == 0)
    def _():
        out_ref[...] = part

    @pl.when(i > 0)
    def _():
        out_ref[...] += part


def _add_body(a_ref, b_ref, out_ref):
    out_ref[...] = a_ref[...] + b_ref[...]


@jax.jit
def _run(x, batch):
    mesh = plsc.VectorSubcoreMesh(core_axis_name="c", subcore_axis_name="s",
                                  num_cores=NC, num_subcores=NS)
    sc_part = pl.kernel(
        _sc_body,
        out_type=jax.ShapeDtypeStruct((NSEG, D), jnp.float32),
        mesh=mesh,
        compiler_params=pltpu.CompilerParams(use_tc_tiling_on_sc=False),
        scratch_types=[
            pltpu.VMEM((S, BLK), jnp.int32),
            pltpu.VMEM((S, BLK, DC), jnp.float32),
            pltpu.VMEM((SEG_PT, DC), jnp.float32),
            pltpu.SemaphoreType.DMA,
            pltpu.SemaphoreType.DMA,
            pltpu.SemaphoreType.DMA,
            pltpu.SemaphoreType.DMA,
            pltpu.SemaphoreType.DMA,
            pltpu.SemaphoreType.DMA,
            pltpu.SemaphoreType.DMA,
            pltpu.SemaphoreType.DMA,
            pltpu.SemaphoreType.DMA,
            pltpu.SemaphoreType.DMA,
            pltpu.SemaphoreType.DMA,
            pltpu.SemaphoreType.DMA,
            pltpu.VMEM_SHARED((NSEG, DC), jnp.float32),
        ],
    )(x, batch)

    ids3 = jnp.concatenate(
        [batch[NSC:],
         jnp.zeros((PAD_TC - (N_ROWS - NSC),), jnp.int32)]).reshape(
             GRID_TC, 1, BR)
    tc_part = pl.pallas_call(
        _tc_body,
        grid=(GRID_TC,),
        in_specs=[
            pl.BlockSpec((1, 1, BR), lambda i: (i, 0, 0)),
            pl.BlockSpec((BR, D), lambda i: (TC_OFF + i, 0)),
        ],
        out_specs=pl.BlockSpec((NSEG, D), lambda i: (0, 0)),
        out_shape=jax.ShapeDtypeStruct((NSEG, D), jnp.float32),
    )(ids3, x)

    return pl.pallas_call(
        _add_body,
        out_shape=jax.ShapeDtypeStruct((NSEG, D), jnp.float32),
    )(sc_part, tc_part)


def kernel(x, batch):
    return _run(x, jnp.asarray(batch, jnp.int32))

# --- scband reference (transcript-rebuilt; emitter-appended) ---
"""Pipeline reference for scband-global-sum-pool-57045755626142 (READ-ONLY COPY).

The authoritative reference and input builder live on the scoring server;
editing this copy changes nothing except your own understanding.
"""

import jax, jax.numpy as jnp
import numpy as np

NUM_GRAPHS = 512

def setup_inputs(seed: int = 0) -> dict:
    key = jax.random.key(seed)
    k1, k2 = jax.random.split(key)
    x = jax.random.normal(k1, (100000, 128), dtype=jnp.float32)
    batch = jnp.sort(jax.random.randint(k2, (100000,), 0, NUM_GRAPHS, dtype=jnp.int64))
    return {"x": x, "batch": batch}

def reference(x, batch):
    # global_add_pool: sum node features per graph id
    return jax.ops.segment_sum(x, batch, num_segments=NUM_GRAPHS)

if __name__ == "__main__":
    import jax
    _d = setup_inputs()
    print(jax.jit(kernel)(*tuple(_d.values())))

</pallas_src>

<mosaic_0001>
#map = affine_map<(d0, d1) -> (0, 0)>
#map1 = affine_map<(d0, d1) -> (0)>
module attributes {stable_mosaic.version = 14 : i64} {
  func.func @_sc_body(%arg0: i32, %arg1: i32, %arg2: memref<100000x128xf32, #tpu.memory_space<hbm>>, %arg3: memref<100000xi32, #tpu.memory_space<hbm>>, %arg4: memref<512x128xf32, #tpu.memory_space<hbm>>, %arg5: memref<6x128xi32, #tpu.memory_space<vmem>>, %arg6: memref<6x128x64xf32, #tpu.memory_space<vmem>>, %arg7: memref<32x64xf32, #tpu.memory_space<vmem>>, %arg8: memref<!tpu.dma_semaphore, #tpu.memory_space<semaphore_mem>>, %arg9: memref<!tpu.dma_semaphore, #tpu.memory_space<semaphore_mem>>, %arg10: memref<!tpu.dma_semaphore, #tpu.memory_space<semaphore_mem>>, %arg11: memref<!tpu.dma_semaphore, #tpu.memory_space<semaphore_mem>>, %arg12: memref<!tpu.dma_semaphore, #tpu.memory_space<semaphore_mem>>, %arg13: memref<!tpu.dma_semaphore, #tpu.memory_space<semaphore_mem>>, %arg14: memref<!tpu.dma_semaphore, #tpu.memory_space<semaphore_mem>>, %arg15: memref<!tpu.dma_semaphore, #tpu.memory_space<semaphore_mem>>, %arg16: memref<!tpu.dma_semaphore, #tpu.memory_space<semaphore_mem>>, %arg17: memref<!tpu.dma_semaphore, #tpu.memory_space<semaphore_mem>>, %arg18: memref<!tpu.dma_semaphore, #tpu.memory_space<semaphore_mem>>, %arg19: memref<!tpu.dma_semaphore, #tpu.memory_space<semaphore_mem>>, %arg20: memref<512x64xf32, #tpu.memory_space<vmem_shared>>) attributes {dimension_semantics = [#tpu.dimension_semantics<core_parallel>, #tpu.dimension_semantics<subcore_parallel>], iteration_bounds = array<i64: 2, 16>, scalar_prefetch = 0 : i64, scratch_operands = 16 : i64, tpu.core_type = #tpu.core_type<sc_vector_subcore>, window_params = [{transform_indices = #map}, {transform_indices = #map1}, {transform_indices = #map}]} {
    %mul3A = arith.constant 64 : i32
    %mul3A_0 = arith.muli %arg0, %mul3A : i32
    %broadcast_in_dim3A = arith.constant 0.000000e+00 : f32
    %broadcast_in_dim3A_1 = vector.broadcast %broadcast_in_dim3A : f32 to vector<16xf32>
    %scan3A = arith.constant 0 : i32
    %scan3A_2 = arith.constant 0 : i32
    %scan3A_3 = arith.constant 32 : i32
    %scan3A_4 = arith.addi %scan3A_2, %scan3A_3 : i32
    %scan3A_5 = arith.constant 1 : i32
    %scan3A_6 = scf.for %scan3A_215 = %scan3A_2 to %scan3A_4 step %scan3A_5 iter_args(%scan3A_216 = %scan3A) -> (i32)  : i32 {
      %swap3A = arith.index_cast %scan3A_215 : i32 to index
      %swap3A_217 = arith.constant 0 : index
      %swap3A_218 = tpu.vector_load %arg7[%swap3A, %swap3A_217] {strides = array<i32>} : memref<32x64xf32, #tpu.memory_space<vmem>>, vector<1x16xf32>,
      %swap3A_219 = vector.shape_cast %swap3A_218 : vector<1x16xf32> to vector<16xf32>
      %swap3A_220 = vector.shape_cast %broadcast_in_dim3A_1 : vector<16xf32> to vector<1x16xf32>
      tpu.vector_store %arg7[%swap3A, %swap3A_217], %swap3A_220 {strides = array<i32>} : memref<32x64xf32, #tpu.memory_space<vmem>>, vector<1x16xf32>,
      %swap3A_221 = arith.index_cast %scan3A_215 : i32 to index
      %swap3A_222 = arith.constant 16 : index
      %swap3A_223 = tpu.vector_load %arg7[%swap3A_221, %swap3A_222] {strides = array<i32>} : memref<32x64xf32, #tpu.memory_space<vmem>>, vector<1x16xf32>,
      %swap3A_224 = vector.shape_cast %swap3A_223 : vector<1x16xf32> to vector<16xf32>
      %swap3A_225 = vector.shape_cast %broadcast_in_dim3A_1 : vector<16xf32> to vector<1x16xf32>
      tpu.vector_store %arg7[%swap3A_221, %swap3A_222], %swap3A_225 {strides = array<i32>} : memref<32x64xf32, #tpu.memory_space<vmem>>, vector<1x16xf32>,
      %swap3A_226 = arith.index_cast %scan3A_215 : i32 to index
      %swap3A_227 = arith.constant 32 : index
      %swap3A_228 = tpu.vector_load %arg7[%swap3A_226, %swap3A_227] {strides = array<i32>} : memref<32x64xf32, #tpu.memory_space<vmem>>, vector<1x16xf32>,
      %swap3A_229 = vector.shape_cast %swap3A_228 : vector<1x16xf32> to vector<16xf32>
      %swap3A_230 = vector.shape_cast %broadcast_in_dim3A_1 : vector<16xf32> to vector<1x16xf32>
      tpu.vector_store %arg7[%swap3A_226, %swap3A_227], %swap3A_230 {strides = array<i32>} : memref<32x64xf32, #tpu.memory_space<vmem>>, vector<1x16xf32>,
      %swap3A_231 = arith.index_cast %scan3A_215 : i32 to index
      %swap3A_232 = arith.constant 48 : index
      %swap3A_233 = tpu.vector_load %arg7[%swap3A_231, %swap3A_232] {strides = array<i32>} : memref<32x64xf32, #tpu.memory_space<vmem>>, vector<1x16xf32>,
      %swap3A_234 = vector.shape_cast %swap3A_233 : vector<1x16xf32> to vector<16xf32>
      %swap3A_235 = vector.shape_cast %broadcast_in_dim3A_1 : vector<16xf32> to vector<1x16xf32>
      tpu.vector_store %arg7[%swap3A_231, %swap3A_232], %swap3A_235 {strides = array<i32>} : memref<32x64xf32, #tpu.memory_space<vmem>>, vector<1x16xf32>,
      %scan3A_236 = arith.constant 0 : i32
      scf.yield %scan3A_236 : i32
    }
    %scan3A_7 = arith.constant 32 : i32
    %mul3A_8 = arith.constant 32 : i32
    %mul3A_9 = arith.muli %arg1, %mul3A_8 : i32
    "tpu.region"() ({
      %run_scoped3A = tpu.sem_alloc : memref<!tpu.dma_semaphore, #tpu.memory_space<semaphore_mem>>
      %dma_start3A_215 = arith.constant 0 : i32
      %dma_start3A_216 = tpu.memref_slice %arg20[%mul3A_9, %dma_start3A_215] : memref<512x64xf32, #tpu.memory_space<vmem_shared>> -> memref<32x64xf32, #tpu.memory_space<vmem_shared>>
      %dma_start3A_217 = arith.constant 0 : i32
      %dma_start3A_218 = tpu.memref_slice %arg20[%mul3A_9, %dma_start3A_217] : memref<512x64xf32, #tpu.memory_space<vmem_shared>> -> memref<32x64xf32, #tpu.memory_space<vmem_shared>>
      tpu.enqueue_dma source(%arg7 : memref<32x64xf32, #tpu.memory_space<vmem>>) target(%dma_start3A_218 : memref<32x64xf32, #tpu.memory_space<vmem_shared>>) target_semaphore(%run_scoped3A : memref<!tpu.dma_semaphore, #tpu.memory_space<semaphore_mem>>)
      %dma_wait3A_219 = arith.constant 0 : i32
      %dma_wait3A_220 = tpu.memref_slice %arg20[%mul3A_9, %dma_wait3A_219] : memref<512x64xf32, #tpu.memory_space<vmem_shared>> -> memref<32x64xf32, #tpu.memory_space<vmem_shared>>
      %dma_wait3A_221 = arith.constant 0 : i32
      %dma_wait3A_222 = tpu.memref_slice %arg20[%mul3A_9, %dma_wait3A_221] : memref<512x64xf32, #tpu.memory_space<vmem_shared>> -> memref<32x64xf32, #tpu.memory_space<vmem_shared>>
      tpu.wait_dma2 semaphore(%run_scoped3A : memref<!tpu.dma_semaphore, #tpu.memory_space<semaphore_mem>>) src(%arg7 : memref<32x64xf32, #tpu.memory_space<vmem>>) dst(%dma_wait3A_222 : memref<32x64xf32, #tpu.memory_space<vmem_shared>>)
      tpu.yield
    }) : () -> ()
    %barrier3A = arith.constant 0 : index
    tpu.barrier barrier_id(%barrier3A)
    %mul3A_10 = arith.constant 640 : i32
    %mul3A_11 = arith.muli %mul3A_10, %arg1 : i32
    %div3A = arith.constant 16 : i32
    %div3A_12 = arith.divsi %mul3A_11, %div3A : i32
    %add3A = arith.constant 1 : i32
    %add3A_13 = arith.addi %arg1, %add3A : i32
    %mul3A_14 = arith.constant 640 : i32
    %mul3A_15 = arith.muli %mul3A_14, %add3A_13 : i32
    %div3A_16 = arith.constant 16 : i32
    %div3A_17 = arith.divsi %mul3A_15, %div3A_16 : i32
    %mul3A_18 = arith.constant 128 : i32
    %mul3A_19 = arith.muli %div3A_12, %mul3A_18 : i32
    %multiple_of3A = tpu.assume_multiple %mul3A_19, 8 : i32
    %dma_start3A = arith.constant 0 : i32
    %dma_start3A_20 = arith.constant 0 : i32
    %dma_start3A_21 = arith.constant 0 : i32
    %dma_start3A_22 = tpu.memref_slice %arg6[%dma_start3A, %dma_start3A_20, %dma_start3A_21] : memref<6x128x64xf32, #tpu.memory_space<vmem>> -> memref<1x128x64xf32, #tpu.memory_space<vmem>>
    %dma_start3A_23 = tpu.memref_squeeze %dma_start3A_22 : memref<1x128x64xf32, #tpu.memory_space<vmem>> -> memref<128x64xf32, #tpu.memory_space<vmem>>
    %dma_start3A_24 = tpu.memref_slice %arg2[%multiple_of3A, %mul3A_0] : memref<100000x128xf32, #tpu.memory_space<hbm>> -> memref<128x64xf32, #tpu.memory_space<hbm>>
    %dma_start3A_25 = arith.constant 0 : i32
    %dma_start3A_26 = arith.constant 0 : i32
    %dma_start3A_27 = tpu.memref_slice %arg6[%dma_start3A, %dma_start3A_25, %dma_start3A_26] : memref<6x128x64xf32, #tpu.memory_space<vmem>> -> memref<1x128x64xf32, #tpu.memory_space<vmem>>
    %dma_start3A_28 = tpu.memref_squeeze %dma_start3A_27 : memref<1x128x64xf32, #tpu.memory_space<vmem>> -> memref<128x64xf32, #tpu.memory_space<vmem>>
    %dma_start3A_29 = tpu.memref_slice %arg2[%multiple_of3A, %mul3A_0] : memref<100000x128xf32, #tpu.memory_space<hbm>> -> memref<128x64xf32, #tpu.memory_space<hbm>>
    tpu.enqueue_dma source(%dma_start3A_29 : memref<128x64xf32, #tpu.memory_space<hbm>>) target(%dma_start3A_28 : memref<128x64xf32, #tpu.memory_space<vmem>>) target_semaphore(%arg8 : memref<!tpu.dma_semaphore, #tpu.memory_space<semaphore_mem>>)
    %dma_start3A_30 = arith.constant 0 : i32
    %dma_start3A_31 = arith.constant 0 : i32
    %dma_start3A_32 = tpu.memref_slice %arg5[%dma_start3A_30, %dma_start3A_31] : memref<6x128xi32, #tpu.memory_space<vmem>> -> memref<1x128xi32, #tpu.memory_space<vmem>>
    %dma_start3A_33 = tpu.memref_squeeze %dma_start3A_32 : memref<1x128xi32, #tpu.memory_space<vmem>> -> memref<128xi32, #tpu.memory_space<vmem>>
    %dma_start3A_34 = tpu.memref_slice %arg3[%multiple_of3A] : memref<100000xi32, #tpu.memory_space<hbm>> -> memref<128xi32, #tpu.memory_space<hbm>>
    %dma_start3A_35 = arith.constant 0 : i32
    %dma_start3A_36 = tpu.memref_slice %arg5[%dma_start3A_30, %dma_start3A_35] : memref<6x128xi32, #tpu.memory_space<vmem>> -> memref<1x128xi32, #tpu.memory_space<vmem>>
    %dma_start3A_37 = tpu.memref_squeeze %dma_start3A_36 : memref<1x128xi32, #tpu.memory_space<vmem>> -> memref<128xi32, #tpu.memory_space<vmem>>
    %dma_start3A_38 = tpu.memref_slice %arg3[%multiple_of3A] : memref<100000xi32, #tpu.memory_space<hbm>> -> memref<128xi32, #tpu.memory_space<hbm>>
    tpu.enqueue_dma source(%dma_start3A_38 : memref<128xi32, #tpu.memory_space<hbm>>) target(%dma_start3A_37 : memref<128xi32, #tpu.memory_space<vmem>>) target_semaphore(%arg8 : memref<!tpu.dma_semaphore, #tpu.memory_space<semaphore_mem>>)
    %add3A_39 = arith.constant 1 : i32
    %add3A_40 = arith.addi %div3A_12, %add3A_39 : i32
    %mul3A_41 = arith.constant 128 : i32
    %mul3A_42 = arith.muli %add3A_40, %mul3A_41 : i32
    %multiple_of3A_43 = tpu.assume_multiple %mul3A_42, 8 : i32
    %dma_start3A_44 = arith.constant 1 : i32
    %dma_start3A_45 = arith.constant 0 : i32
    %dma_start3A_46 = arith.constant 0 : i32
    %dma_start3A_47 = tpu.memref_slice %arg6[%dma_start3A_44, %dma_start3A_45, %dma_start3A_46] : memref<6x128x64xf32, #tpu.memory_space<vmem>> -> memref<1x128x64xf32, #tpu.memory_space<vmem>>
    %dma_start3A_48 = tpu.memref_squeeze %dma_start3A_47 : memref<1x128x64xf32, #tpu.memory_space<vmem>> -> memref<128x64xf32, #tpu.memory_space<vmem>>
    %dma_start3A_49 = tpu.memref_slice %arg2[%multiple_of3A_43, %mul3A_0] : memref<100000x128xf32, #tpu.memory_space<hbm>> -> memref<128x64xf32, #tpu.memory_space<hbm>>
    %dma_start3A_50 = arith.constant 0 : i32
    %dma_start3A_51 = arith.constant 0 : i32
    %dma_start3A_52 = tpu.memref_slice %arg6[%dma_start3A_44, %dma_start3A_50, %dma_start3A_51] : memref<6x128x64xf32, #tpu.memory_space<vmem>> -> memref<1x128x64xf32, #tpu.memory_space<vmem>>
    %dma_start3A_53 = tpu.memref_squeeze %dma_start3A_52 : memref<1x128x64xf32, #tpu.memory_space<vmem>> -> memref<128x64xf32, #tpu.memory_space<vmem>>
    %dma_start3A_54 = tpu.memref_slice %arg2[%multiple_of3A_43, %mul3A_0] : memref<100000x128xf32, #tpu.memory_space<hbm>> -> memref<128x64xf32, #tpu.memory_space<hbm>>
    tpu.enqueue_dma source(%dma_start3A_54 : memref<128x64xf32, #tpu.memory_space<hbm>>) target(%dma_start3A_53 : memref<128x64xf32, #tpu.memory_space<vmem>>) target_semaphore(%arg9 : memref<!tpu.dma_semaphore, #tpu.memory_space<semaphore_mem>>)
    %dma_start3A_55 = arith.constant 1 : i32
    %dma_start3A_56 = arith.constant 0 : i32
    %dma_start3A_57 = tpu.memref_slice %arg5[%dma_start3A_55, %dma_start3A_56] : memref<6x128xi32, #tpu.memory_space<vmem>> -> memref<1x128xi32, #tpu.memory_space<vmem>>
    %dma_start3A_58 = tpu.memref_squeeze %dma_start3A_57 : memref<1x128xi32, #tpu.memory_space<vmem>> -> memref<128xi32, #tpu.memory_space<vmem>>
    %dma_start3A_59 = tpu.memref_slice %arg3[%multiple_of3A_43] : memref<100000xi32, #tpu.memory_space<hbm>> -> memref<128xi32, #tpu.memory_space<hbm>>
    %dma_start3A_60 = arith.constant 0 : i32
    %dma_start3A_61 = tpu.memref_slice %arg5[%dma_start3A_55, %dma_start3A_60] : memref<6x128xi32, #tpu.memory_space<vmem>> -> memref<1x128xi32, #tpu.memory_space<vmem>>
    %dma_start3A_62 = tpu.memref_squeeze %dma_start3A_61 : memref<1x128xi32, #tpu.memory_space<vmem>> -> memref<128xi32, #tpu.memory_space<vmem>>
    %dma_start3A_63 = tpu.memref_slice %arg3[%multiple_of3A_43] : memref<100000xi32, #tpu.memory_space<hbm>> -> memref<128xi32, #tpu.memory_space<hbm>>
    tpu.enqueue_dma source(%dma_start3A_63 : memref<128xi32, #tpu.memory_space<hbm>>) target(%dma_start3A_62 : memref<128xi32, #tpu.memory_space<vmem>>) target_semaphore(%arg9 : memref<!tpu.dma_semaphore, #tpu.memory_space<semaphore_mem>>)
    %add3A_64 = arith.constant 2 : i32
    %add3A_65 = arith.addi %div3A_12, %add3A_64 : i32
    %mul3A_66 = arith.constant 128 : i32
    %mul3A_67 = arith.muli %add3A_65, %mul3A_66 : i32
    %multiple_of3A_68 = tpu.assume_multiple %mul3A_67, 8 : i32
    %dma_start3A_69 = arith.constant 2 : i32
    %dma_start3A_70 = arith.constant 0 : i32
    %dma_start3A_71 = arith.constant 0 : i32
    %dma_start3A_72 = tpu.memref_slice %arg6[%dma_start3A_69, %dma_start3A_70, %dma_start3A_71] : memref<6x128x64xf32, #tpu.memory_space<vmem>> -> memref<1x128x64xf32, #tpu.memory_space<vmem>>
    %dma_start3A_73 = tpu.memref_squeeze %dma_start3A_72 : memref<1x128x64xf32, #tpu.memory_space<vmem>> -> memref<128x64xf32, #tpu.memory_space<vmem>>
    %dma_start3A_74 = tpu.memref_slice %arg2[%multiple_of3A_68, %mul3A_0] : memref<100000x128xf32, #tpu.memory_space<hbm>> -> memref<128x64xf32, #tpu.memory_space<hbm>>
    %dma_start3A_75 = arith.constant 0 : i32
    %dma_start3A_76 = arith.constant 0 : i32
    %dma_start3A_77 = tpu.memref_slice %arg6[%dma_start3A_69, %dma_start3A_75, %dma_start3A_76] : memref<6x128x64xf32, #tpu.memory_space<vmem>> -> memref<1x128x64xf32, #tpu.memory_space<vmem>>
    %dma_start3A_78 = tpu.memref_squeeze %dma_start3A_77 : memref<1x128x64xf32, #tpu.memory_space<vmem>> -> memref<128x64xf32, #tpu.memory_space<vmem>>
    %dma_start3A_79 = tpu.memref_slice %arg2[%multiple_of3A_68, %mul3A_0] : memref<100000x128xf32, #tpu.memory_space<hbm>> -> memref<128x64xf32, #tpu.memory_space<hbm>>
    tpu.enqueue_dma source(%dma_start3A_79 : memref<128x64xf32, #tpu.memory_space<hbm>>) target(%dma_start3A_78 : memref<128x64xf32, #tpu.memory_space<vmem>>) target_semaphore(%arg10 : memref<!tpu.dma_semaphore, #tpu.memory_space<semaphore_mem>>)
    %dma_start3A_80 = arith.constant 2 : i32
    %dma_start3A_81 = arith.constant 0 : i32
    %dma_start3A_82 = tpu.memref_slice %arg5[%dma_start3A_80, %dma_start3A_81] : memref<6x128xi32, #tpu.memory_space<vmem>> -> memref<1x128xi32, #tpu.memory_space<vmem>>
    %dma_start3A_83 = tpu.memref_squeeze %dma_start3A_82 : memref<1x128xi32, #tpu.memory_space<vmem>> -> memref<128xi32, #tpu.memory_space<vmem>>
    %dma_start3A_84 = tpu.memref_slice %arg3[%multiple_of3A_68] : memref<100000xi32, #tpu.memory_space<hbm>> -> memref<128xi32, #tpu.memory_space<hbm>>
    %dma_start3A_85 = arith.constant 0 : i32
    %dma_start3A_86 = tpu.memref_slice %arg5[%dma_start3A_80, %dma_start3A_85] : memref<6x128xi32, #tpu.memory_space<vmem>> -> memref<1x128xi32, #tpu.memory_space<vmem>>
    %dma_start3A_87 = tpu.memref_squeeze %dma_start3A_86 : memref<1x128xi32, #tpu.memory_space<vmem>> -> memref<128xi32, #tpu.memory_space<vmem>>
    %dma_start3A_88 = tpu.memref_slice %arg3[%multiple_of3A_68] : memref<100000xi32, #tpu.memory_space<hbm>> -> memref<128xi32, #tpu.memory_space<hbm>>
    tpu.enqueue_dma source(%dma_start3A_88 : memref<128xi32, #tpu.memory_space<hbm>>) target(%dma_start3A_87 : memref<128xi32, #tpu.memory_space<vmem>>) target_semaphore(%arg10 : memref<!tpu.dma_semaphore, #tpu.memory_space<semaphore_mem>>)
    %add3A_89 = arith.constant 3 : i32
    %add3A_90 = arith.addi %div3A_12, %add3A_89 : i32
    %mul3A_91 = arith.constant 128 : i32
    %mul3A_92 = arith.muli %add3A_90, %mul3A_91 : i32
    %multiple_of3A_93 = tpu.assume_multiple %mul3A_92, 8 : i32
    %dma_start3A_94 = arith.constant 3 : i32
    %dma_start3A_95 = arith.constant 0 : i32
    %dma_start3A_96 = arith.constant 0 : i32
    %dma_start3A_97 = tpu.memref_slice %arg6[%dma_start3A_94, %dma_start3A_95, %dma_start3A_96] : memref<6x128x64xf32, #tpu.memory_space<vmem>> -> memref<1x128x64xf32, #tpu.memory_space<vmem>>
    %dma_start3A_98 = tpu.memref_squeeze %dma_start3A_97 : memref<1x128x64xf32, #tpu.memory_space<vmem>> -> memref<128x64xf32, #tpu.memory_space<vmem>>
    %dma_start3A_99 = tpu.memref_slice %arg2[%multiple_of3A_93, %mul3A_0] : memref<100000x128xf32, #tpu.memory_space<hbm>> -> memref<128x64xf32, #tpu.memory_space<hbm>>
    %dma_start3A_100 = arith.constant 0 : i32
    %dma_start3A_101 = arith.constant 0 : i32
    %dma_start3A_102 = tpu.memref_slice %arg6[%dma_start3A_94, %dma_start3A_100, %dma_start3A_101] : memref<6x128x64xf32, #tpu.memory_space<vmem>> -> memref<1x128x64xf32, #tpu.memory_space<vmem>>
    %dma_start3A_103 = tpu.memref_squeeze %dma_start3A_102 : memref<1x128x64xf32, #tpu.memory_space<vmem>> -> memref<128x64xf32, #tpu.memory_space<vmem>>
    %dma_start3A_104 = tpu.memref_slice %arg2[%multiple_of3A_93, %mul3A_0] : memref<100000x128xf32, #tpu.memory_space<hbm>> -> memref<128x64xf32, #tpu.memory_space<hbm>>
    tpu.enqueue_dma source(%dma_start3A_104 : memref<128x64xf32, #tpu.memory_space<hbm>>) target(%dma_start3A_103 : memref<128x64xf32, #tpu.memory_space<vmem>>) target_semaphore(%arg11 : memref<!tpu.dma_semaphore, #tpu.memory_space<semaphore_mem>>)
    %dma_start3A_105 = arith.constant 3 : i32
    %dma_start3A_106 = arith.constant 0 : i32
    %dma_start3A_107 = tpu.memref_slice %arg5[%dma_start3A_105, %dma_start3A_106] : memref<6x128xi32, #tpu.memory_space<vmem>> -> memref<1x128xi32, #tpu.memory_space<vmem>>
    %dma_start3A_108 = tpu.memref_squeeze %dma_start3A_107 : memref<1x128xi32, #tpu.memory_space<vmem>> -> memref<128xi32, #tpu.memory_space<vmem>>
    %dma_start3A_109 = tpu.memref_slice %arg3[%multiple_of3A_93] : memref<100000xi32, #tpu.memory_space<hbm>> -> memref<128xi32, #tpu.memory_space<hbm>>
    %dma_start3A_110 = arith.constant 0 : i32
    %dma_start3A_111 = tpu.memref_slice %arg5[%dma_start3A_105, %dma_start3A_110] : memref<6x128xi32, #tpu.memory_space<vmem>> -> memref<1x128xi32, #tpu.memory_space<vmem>>
    %dma_start3A_112 = tpu.memref_squeeze %dma_start3A_111 : memref<1x128xi32, #tpu.memory_space<vmem>> -> memref<128xi32, #tpu.memory_space<vmem>>
    %dma_start3A_113 = tpu.memref_slice %arg3[%multiple_of3A_93] : memref<100000xi32, #tpu.memory_space<hbm>> -> memref<128xi32, #tpu.memory_space<hbm>>
    tpu.enqueue_dma source(%dma_start3A_113 : memref<128xi32, #tpu.memory_space<hbm>>) target(%dma_start3A_112 : memref<128xi32, #tpu.memory_space<vmem>>) target_semaphore(%arg11 : memref<!tpu.dma_semaphore, #tpu.memory_space<semaphore_mem>>)
    %scan3A_114 = arith.constant 0 : i32
    %scan3A_115 = arith.constant 0 : i32
    %scan3A_116 = arith.constant 8 : i32
    %scan3A_117 = arith.addi %scan3A_115, %scan3A_116 : i32
    %scan3A_118 = arith.constant 1 : i32
    %scan3A_119 = scf.for %scan3A_215 = %scan3A_115 to %scan3A_117 step %scan3A_118 iter_args(%scan3A_216 = %scan3A_114) -> (i32)  : i32 {
      %mul3A_217 = arith.constant 6 : i32
      %mul3A_218 = arith.muli %mul3A_217, %scan3A_215 : i32
      %add3A_219 = arith.addi %div3A_12, %mul3A_218 : i32
      %add3A_220 = arith.constant 0 : i32
      %add3A_221 = arith.addi %add3A_219, %add3A_220 : i32
      %lt3A = arith.cmpi slt, %add3A_221, %div3A_17 : i32
      %convert_element_type3A = arith.extui %lt3A : i1 to i32
      %cond3A = arith.constant 0 : i32
      %cond3A_222 = arith.cmpi ne, %convert_element_type3A, %cond3A : i32
      scf.if %cond3A_222 {
        %dma_wait3A_269 = arith.constant 0 : i32
        %dma_wait3A_270 = arith.constant 0 : i32
        %dma_wait3A_271 = arith.constant 0 : i32
        %dma_wait3A_272 = tpu.memref_slice %arg6[%dma_wait3A_269, %dma_wait3A_270, %dma_wait3A_271] : memref<6x128x64xf32, #tpu.memory_space<vmem>> -> memref<1x128x64xf32, #tpu.memory_space<vmem>>
        %dma_wait3A_273 = tpu.memref_squeeze %dma_wait3A_272 : memref<1x128x64xf32, #tpu.memory_space<vmem>> -> memref<128x64xf32, #tpu.memory_space<vmem>>
        %dma_wait3A_274 = arith.constant 0 : i32
        %dma_wait3A_275 = arith.constant 0 : i32
        %dma_wait3A_276 = tpu.memref_slice %arg2[%dma_wait3A_274, %dma_wait3A_275] : memref<100000x128xf32, #tpu.memory_space<hbm>> -> memref<128x64xf32, #tpu.memory_space<hbm>>
        %dma_wait3A_277 = arith.constant 0 : i32
        %dma_wait3A_278 = arith.constant 0 : i32
        %dma_wait3A_279 = tpu.memref_slice %arg6[%dma_wait3A_269, %dma_wait3A_277, %dma_wait3A_278] : memref<6x128x64xf32, #tpu.memory_space<vmem>> -> memref<1x128x64xf32, #tpu.memory_space<vmem>>
        %dma_wait3A_280 = tpu.memref_squeeze %dma_wait3A_279 : memref<1x128x64xf32, #tpu.memory_space<vmem>> -> memref<128x64xf32, #tpu.memory_space<vmem>>
        %dma_wait3A_281 = arith.constant 0 : i32
        %dma_wait3A_282 = arith.constant 0 : i32
        %dma_wait3A_283 = tpu.memref_slice %arg2[%dma_wait3A_281, %dma_wait3A_282] : memref<100000x128xf32, #tpu.memory_space<hbm>> -> memref<128x64xf32, #tpu.memory_space<hbm>>
        tpu.wait_dma2 semaphore(%arg8 : memref<!tpu.dma_semaphore, #tpu.memory_space<semaphore_mem>>) src(%dma_wait3A_283 : memref<128x64xf32, #tpu.memory_space<hbm>>) dst(%dma_wait3A_280 : memref<128x64xf32, #tpu.memory_space<vmem>>)
        %dma_wait3A_284 = arith.constant 0 : i32
        %dma_wait3A_285 = arith.constant 0 : i32
        %dma_wait3A_286 = tpu.memref_slice %arg5[%dma_wait3A_284, %dma_wait3A_285] : memref<6x128xi32, #tpu.memory_space<vmem>> -> memref<1x128xi32, #tpu.memory_space<vmem>>
        %dma_wait3A_287 = tpu.memref_squeeze %dma_wait3A_286 : memref<1x128xi32, #tpu.memory_space<vmem>> -> memref<128xi32, #tpu.memory_space<vmem>>
        %dma_wait3A_288 = arith.constant 0 : i32
        %dma_wait3A_289 = tpu.memref_slice %arg3[%dma_wait3A_288] : memref<100000xi32, #tpu.memory_space<hbm>> -> memref<128xi32, #tpu.memory_space<hbm>>
        %dma_wait3A_290 = arith.constant 0 : i32
        %dma_wait3A_291 = tpu.memref_slice %arg5[%dma_wait3A_284, %dma_wait3A_290] : memref<6x128xi32, #tpu.memory_space<vmem>> -> memref<1x128xi32, #tpu.memory_space<vmem>>
        %dma_wait3A_292 = tpu.memref_squeeze %dma_wait3A_291 : memref<1x128xi32, #tpu.memory_space<vmem>> -> memref<128xi32, #tpu.memory_space<vmem>>
        %dma_wait3A_293 = arith.constant 0 : i32
        %dma_wait3A_294 = tpu.memref_slice %arg3[%dma_wait3A_293] : memref<100000xi32, #tpu.memory_space<hbm>> -> memref<128xi32, #tpu.memory_space<hbm>>
        tpu.wait_dma2 semaphore(%arg8 : memref<!tpu.dma_semaphore, #tpu.memory_space<semaphore_mem>>) src(%dma_wait3A_294 : memref<128xi32, #tpu.memory_space<hbm>>) dst(%dma_wait3A_292 : memref<128xi32, #tpu.memory_space<vmem>>)
        %dma_start3A_295 = arith.constant 0 : i32
        %dma_start3A_296 = arith.constant 0 : i32
        %dma_start3A_297 = arith.constant 0 : i32
        %dma_start3A_298 = arith.constant 0 : i32
        %dma_start3A_299 = tpu.memref_slice %arg6[%dma_start3A_295, %dma_start3A_297, %dma_start3A_298] : memref<6x128x64xf32, #tpu.memory_space<vmem>> -> memref<1x128x64xf32, #tpu.memory_space<vmem>>
        %dma_start3A_300 = tpu.memref_squeeze %dma_start3A_299 : memref<1x128x64xf32, #tpu.memory_space<vmem>> -> memref<128x64xf32, #tpu.memory_space<vmem>>
        %dma_start3A_301 = arith.constant 0 : i32
        %dma_start3A_302 = tpu.memref_slice %arg5[%dma_start3A_296, %dma_start3A_301] : memref<6x128xi32, #tpu.memory_space<vmem>> -> memref<1x128xi32, #tpu.memory_space<vmem>>
        %dma_start3A_303 = tpu.memref_squeeze %dma_start3A_302 : memref<1x128xi32, #tpu.memory_space<vmem>> -> memref<128xi32, #tpu.memory_space<vmem>>
        %dma_start3A_304 = arith.constant 0 : i32
        %dma_start3A_305 = arith.constant 0 : i32
        %dma_start3A_306 = tpu.memref_slice %arg20[%dma_start3A_304, %dma_start3A_305] : memref<512x64xf32, #tpu.memory_space<vmem_shared>> -> memref<512x64xf32, #tpu.memory_space<vmem_shared>>
        tpu.enqueue_indirect_dma source(%dma_start3A_300 : memref<128x64xf32, #tpu.memory_space<vmem>>) target(%dma_start3A_306 : memref<512x64xf32, #tpu.memory_space<vmem_shared>>) offsets(%dma_start3A_303 : memref<128xi32, #tpu.memory_space<vmem>>) semaphore(%arg14 : memref<!tpu.dma_semaphore, #tpu.memory_space<semaphore_mem>>) {add = true}
        %add3A_307 = arith.constant 4 : i32
        %add3A_308 = arith.addi %add3A_221, %add3A_307 : i32
        %lt3A_309 = arith.cmpi slt, %add3A_308, %div3A_17 : i32
        %convert_element_type3A_310 = arith.extui %lt3A_309 : i1 to i32
        %cond3A_311 = arith.constant 0 : i32
        %cond3A_312 = arith.cmpi ne, %convert_element_type3A_310, %cond3A_311 : i32
        scf.if %cond3A_312 {
          %sub3A = arith.constant 6 : i32
          %sub3A_313 = arith.subi %add3A_308, %sub3A : i32
          %ge3A = arith.cmpi sge, %sub3A_313, %div3A_12 : i32
          %convert_element_type3A_314 = arith.extui %ge3A : i1 to i32
          %cond3A_315 = arith.constant 0 : i32
          %cond3A_316 = arith.cmpi ne, %convert_element_type3A_314, %cond3A_315 : i32
          scf.if %cond3A_316 {
            %dma_wait3A_340 = arith.constant 4 : i32
            %dma_wait3A_341 = arith.constant 0 : i32
            %dma_wait3A_342 = arith.constant 0 : i32
            %dma_wait3A_343 = tpu.memref_slice %arg6[%dma_wait3A_340, %dma_wait3A_341, %dma_wait3A_342] : memref<6x128x64xf32, #tpu.memory_space<vmem>> -> memref<1x128x64xf32, #tpu.memory_space<vmem>>
            %dma_wait3A_344 = tpu.memref_squeeze %dma_wait3A_343 : memref<1x128x64xf32, #tpu.memory_space<vmem>> -> memref<128x64xf32, #tpu.memory_space<vmem>>
            %dma_wait3A_345 = arith.constant 0 : i32
            %dma_wait3A_346 = arith.constant 0 : i32
            %dma_wait3A_347 = tpu.memref_slice %arg2[%dma_wait3A_345, %dma_wait3A_346] : memref<100000x128xf32, #tpu.memory_space<hbm>> -> memref<128x64xf32, #tpu.memory_space<hbm>>
            %dma_wait3A_348 = arith.constant 0 : i32
            %dma_wait3A_349 = arith.constant 0 : i32
            %dma_wait3A_350 = tpu.memref_slice %arg6[%dma_wait3A_340, %dma_wait3A_348, %dma_wait3A_349] : memref<6x128x64xf32, #tpu.memory_space<vmem>> -> memref<1x128x64xf32, #tpu.memory_space<vmem>>
            %dma_wait3A_351 = tpu.memref_squeeze %dma_wait3A_350 : memref<1x128x64xf32, #tpu.memory_space<vmem>> -> memref<128x64xf32, #tpu.memory_space<vmem>>
            %dma_wait3A_352 = arith.constant 0 : i32
            %dma_wait3A_353 = arith.constant 0 : i32
            %dma_wait3A_354 = tpu.memref_slice %arg2[%dma_wait3A_352, %dma_wait3A_353] : memref<100000x128xf32, #tpu.memory_space<hbm>> -> memref<128x64xf32, #tpu.memory_space<hbm>>
            tpu.wait_dma2 semaphore(%arg18 : memref<!tpu.dma_semaphore, #tpu.memory_space<semaphore_mem>>) src(%dma_wait3A_354 : memref<128x64xf32, #tpu.memory_space<hbm>>) dst(%dma_wait3A_351 : memref<128x64xf32, #tpu.memory_space<vmem>>)
          } else {
          }
          %mul3A_317 = arith.constant 128 : i32
          %mul3A_318 = arith.muli %add3A_308, %mul3A_317 : i32
          %multiple_of3A_319 = tpu.assume_multiple %mul3A_318, 8 : i32
          %dma_start3A_320 = arith.constant 4 : i32
          %dma_start3A_321 = arith.constant 0 : i32
          %dma_start3A_322 = arith.constant 0 : i32
          %dma_start3A_323 = tpu.memref_slice %arg6[%dma_start3A_320, %dma_start3A_321, %dma_start3A_322] : memref<6x128x64xf32, #tpu.memory_space<vmem>> -> memref<1x128x64xf32, #tpu.memory_space<vmem>>
          %dma_start3A_324 = tpu.memref_squeeze %dma_start3A_323 : memref<1x128x64xf32, #tpu.memory_space<vmem>> -> memref<128x64xf32, #tpu.memory_space<vmem>>
          %dma_start3A_325 = tpu.memref_slice %arg2[%multiple_of3A_319, %mul3A_0] : memref<100000x128xf32, #tpu.memory_space<hbm>> -> memref<128x64xf32, #tpu.memory_space<hbm>>
          %dma_start3A_326 = arith.constant 0 : i32
          %dma_start3A_327 = arith.constant 0 : i32
          %dma_start3A_328 = tpu.memref_slice %arg6[%dma_start3A_320, %dma_start3A_326, %dma_start3A_327] : memref<6x128x64xf32, #tpu.memory_space<vmem>> -> memref<1x128x64xf32, #tpu.memory_space<vmem>>
          %dma_start3A_329 = tpu.memref_squeeze %dma_start3A_328 : memref<1x128x64xf32, #tpu.memory_space<vmem>> -> memref<128x64xf32, #tpu.memory_space<vmem>>
          %dma_start3A_330 = tpu.memref_slice %arg2[%multiple_of3A_319, %mul3A_0] : memref<100000x128xf32, #tpu.memory_space<hbm>> -> memref<128x64xf32, #tpu.memory_space<hbm>>
          tpu.enqueue_dma source(%dma_start3A_330 : memref<128x64xf32, #tpu.memory_space<hbm>>) target(%dma_start3A_329 : memref<128x64xf32, #tpu.memory_space<vmem>>) target_semaphore(%arg12 : memref<!tpu.dma_semaphore, #tpu.memory_space<semaphore_mem>>)
          %dma_start3A_331 = arith.constant 4 : i32
          %dma_start3A_332 = arith.constant 0 : i32
          %dma_start3A_333 = tpu.memref_slice %arg5[%dma_start3A_331, %dma_start3A_332] : memref<6x128xi32, #tpu.memory_space<vmem>> -> memref<1x128xi32, #tpu.memory_space<vmem>>
          %dma_start3A_334 = tpu.memref_squeeze %dma_start3A_333 : memref<1x128xi32, #tpu.memory_space<vmem>> -> memref<128xi32, #tpu.memory_space<vmem>>
          %dma_start3A_335 = tpu.memref_slice %arg3[%multiple_of3A_319] : memref<100000xi32, #tpu.memory_space<hbm>> -> memref<128xi32, #tpu.memory_space<hbm>>
          %dma_start3A_336 = arith.constant 0 : i32
          %dma_start3A_337 = tpu.memref_slice %arg5[%dma_start3A_331, %dma_start3A_336] : memref<6x128xi32, #tpu.memory_space<vmem>> -> memref<1x128xi32, #tpu.memory_space<vmem>>
          %dma_start3A_338 = tpu.memref_squeeze %dma_start3A_337 : memref<1x128xi32, #tpu.memory_space<vmem>> -> memref<128xi32, #tpu.memory_space<vmem>>
          %dma_start3A_339 = tpu.memref_slice %arg3[%multiple_of3A_319] : memref<100000xi32, #tpu.memory_space<hbm>> -> memref<128xi32, #tpu.memory_space<hbm>>
          tpu.enqueue_dma source(%dma_start3A_339 : memref<128xi32, #tpu.memory_space<hbm>>) target(%dma_start3A_338 : memref<128xi32, #tpu.memory_space<vmem>>) target_semaphore(%arg12 : memref<!tpu.dma_semaphore, #tpu.memory_space<semaphore_mem>>)
        } else {
        }
      } else {
      }
      %mul3A_223 = arith.constant 6 : i32
      %mul3A_224 = arith.muli %mul3A_223, %scan3A_215 : i32
      %add3A_225 = arith.addi %div3A_12, %mul3A_224 : i32
      %add3A_226 = arith.constant 1 : i32
      %add3A_227 = arith.addi %add3A_225, %add3A_226 : i32
      %lt3A_228 = arith.cmpi slt, %add3A_227, %div3A_17 : i32
      %convert_element_type3A_229 = arith.extui %lt3A_228 : i1 to i32
      %cond3A_230 = arith.constant 0 : i32
      %cond3A_231 = arith.cmpi ne, %convert_element_type3A_229, %cond3A_230 : i32
      scf.if %cond3A_231 {
        %dma_wait3A_269 = arith.constant 1 : i32
        %dma_wait3A_270 = arith.constant 0 : i32
        %dma_wait3A_271 = arith.constant 0 : i32
        %dma_wait3A_272 = tpu.memref_slice %arg6[%dma_wait3A_269, %dma_wait3A_270, %dma_wait3A_271] : memref<6x128x64xf32, #tpu.memory_space<vmem>> -> memref<1x128x64xf32, #tpu.memory_space<vmem>>
        %dma_wait3A_273 = tpu.memref_squeeze %dma_wait3A_272 : memref<1x128x64xf32, #tpu.memory_space<vmem>> -> memref<128x64xf32, #tpu.memory_space<vmem>>
        %dma_wait3A_274 = arith.constant 0 : i32
        %dma_wait3A_275 = arith.constant 0 : i32
        %dma_wait3A_276 = tpu.memref_slice %arg2[%dma_wait3A_274, %dma_wait3A_275] : memref<100000x128xf32, #tpu.memory_space<hbm>> -> memref<128x64xf32, #tpu.memory_space<hbm>>
        %dma_wait3A_277 = arith.constant 0 : i32
        %dma_wait3A_278 = arith.constant 0 : i32
        %dma_wait3A_279 = tpu.memref_slice %arg6[%dma_wait3A_269, %dma_wait3A_277, %dma_wait3A_278] : memref<6x128x64xf32, #tpu.memory_space<vmem>> -> memref<1x128x64xf32, #tpu.memory_space<vmem>>
        %dma_wait3A_280 = tpu.memref_squeeze %dma_wait3A_279 : memref<1x128x64xf32, #tpu.memory_space<vmem>> -> memref<128x64xf32, #tpu.memory_space<vmem>>
        %dma_wait3A_281 = arith.constant 0 : i32
        %dma_wait3A_282 = arith.constant 0 : i32
        %dma_wait3A_283 = tpu.memref_slice %arg2[%dma_wait3A_281, %dma_wait3A_282] : memref<100000x128xf32, #tpu.memory_space<hbm>> -> memref<128x64xf32, #tpu.memory_space<hbm>>
        tpu.wait_dma2 semaphore(%arg9 : memref<!tpu.dma_semaphore, #tpu.memory_space<semaphore_mem>>) src(%dma_wait3A_283 : memref<128x64xf32, #tpu.memory_space<hbm>>) dst(%dma_wait3A_280 : memref<128x64xf32, #tpu.memory_space<vmem>>)
        %dma_wait3A_284 = arith.constant 1 : i32
        %dma_wait3A_285 = arith.constant 0 : i32
        %dma_wait3A_286 = tpu.memref_slice %arg5[%dma_wait3A_284, %dma_wait3A_285] : memref<6x128xi32, #tpu.memory_space<vmem>> -> memref<1x128xi32, #tpu.memory_space<vmem>>
        %dma_wait3A_287 = tpu.memref_squeeze %dma_wait3A_286 : memref<1x128xi32, #tpu.memory_space<vmem>> -> memref<128xi32, #tpu.memory_space<vmem>>
        %dma_wait3A_288 = arith.constant 0 : i32
        %dma_wait3A_289 = tpu.memref_slice %arg3[%dma_wait3A_288] : memref<100000xi32, #tpu.memory_space<hbm>> -> memref<128xi32, #tpu.memory_space<hbm>>
        %dma_wait3A_290 = arith.constant 0 : i32
        %dma_wait3A_291 = tpu.memref_slice %arg5[%dma_wait3A_284, %dma_wait3A_290] : memref<6x128xi32, #tpu.memory_space<vmem>> -> memref<1x128xi32, #tpu.memory_space<vmem>>
        %dma_wait3A_292 = tpu.memref_squeeze %dma_wait3A_291 : memref<1x128xi32, #tpu.memory_space<vmem>> -> memref<128xi32, #tpu.memory_space<vmem>>
        %dma_wait3A_293 = arith.constant 0 : i32
        %dma_wait3A_294 = tpu.memref_slice %arg3[%dma_wait3A_293] : memref<100000xi32, #tpu.memory_space<hbm>> -> memref<128xi32, #tpu.memory_space<hbm>>
        tpu.wait_dma2 semaphore(%arg9 : memref<!tpu.dma_semaphore, #tpu.memory_space<semaphore_mem>>) src(%dma_wait3A_294 : memref<128xi32, #tpu.memory_space<hbm>>) dst(%dma_wait3A_292 : memref<128xi32, #tpu.memory_space<vmem>>)
        %dma_start3A_295 = arith.constant 1 : i32
        %dma_start3A_296 = arith.constant 1 : i32
        %dma_start3A_297 = arith.constant 0 : i32
        %dma_start3A_298 = arith.constant 0 : i32
        %dma_start3A_299 = tpu.memref_slice %arg6[%dma_start3A_295, %dma_start3A_297, %dma_start3A_298] : memref<6x128x64xf32, #tpu.memory_space<vmem>> -> memref<1x128x64xf32, #tpu.memory_space<vmem>>
        %dma_start3A_300 = tpu.memref_squeeze %dma_start3A_299 : memref<1x128x64xf32, #tpu.memory_space<vmem>> -> memref<128x64xf32, #tpu.memory_space<vmem>>
        %dma_start3A_301 = arith.constant 0 : i32
        %dma_start3A_302 = tpu.memref_slice %arg5[%dma_start3A_296, %dma_start3A_301] : memref<6x128xi32, #tpu.memory_space<vmem>> -> memref<1x128xi32, #tpu.memory_space<vmem>>
        %dma_start3A_303 = tpu.memref_squeeze %dma_start3A_302 : memref<1x128xi32, #tpu.memory_space<vmem>> -> memref<128xi32, #tpu.memory_space<vmem>>
        %dma_start3A_304 = arith.constant 0 : i32
        %dma_start3A_305 = arith.constant 0 : i32
        %dma_start3A_306 = tpu.memref_slice %arg20[%dma_start3A_304, %dma_start3A_305] : memref<512x64xf32, #tpu.memory_space<vmem_shared>> -> memref<512x64xf32, #tpu.memory_space<vmem_shared>>
        tpu.enqueue_indirect_dma source(%dma_start3A_300 : memref<128x64xf32, #tpu.memory_space<vmem>>) target(%dma_start3A_306 : memref<512x64xf32, #tpu.memory_space<vmem_shared>>) offsets(%dma_start3A_303 : memref<128xi32, #tpu.memory_space<vmem>>) semaphore(%arg15 : memref<!tpu.dma_semaphore, #tpu.memory_space<semaphore_mem>>) {add = true}
        %add3A_307 = arith.constant 4 : i32
        %add3A_308 = arith.addi %add3A_227, %add3A_307 : i32
        %lt3A_309 = arith.cmpi slt, %add3A_308, %div3A_17 : i32
        %convert_element_type3A_310 = arith.extui %lt3A_309 : i1 to i32
        %cond3A_311 = arith.constant 0 : i32
        %cond3A_312 = arith.cmpi ne, %convert_element_type3A_310, %cond3A_311 : i32
        scf.if %cond3A_312 {
          %sub3A = arith.constant 6 : i32
          %sub3A_313 = arith.subi %add3A_308, %sub3A : i32
          %ge3A = arith.cmpi sge, %sub3A_313, %div3A_12 : i32
          %convert_element_type3A_314 = arith.extui %ge3A : i1 to i32
          %cond3A_315 = arith.constant 0 : i32
          %cond3A_316 = arith.cmpi ne, %convert_element_type3A_314, %cond3A_315 : i32
          scf.if %cond3A_316 {
            %dma_wait3A_340 = arith.constant 5 : i32
            %dma_wait3A_341 = arith.constant 0 : i32
            %dma_wait3A_342 = arith.constant 0 : i32
            %dma_wait3A_343 = tpu.memref_slice %arg6[%dma_wait3A_340, %dma_wait3A_341, %dma_wait3A_342] : memref<6x128x64xf32, #tpu.memory_space<vmem>> -> memref<1x128x64xf32, #tpu.memory_space<vmem>>
            %dma_wait3A_344 = tpu.memref_squeeze %dma_wait3A_343 : memref<1x128x64xf32, #tpu.memory_space<vmem>> -> memref<128x64xf32, #tpu.memory_space<vmem>>
            %dma_wait3A_345 = arith.constant 0 : i32
            %dma_wait3A_346 = arith.constant 0 : i32
            %dma_wait3A_347 = tpu.memref_slice %arg2[%dma_wait3A_345, %dma_wait3A_346] : memref<100000x128xf32, #tpu.memory_space<hbm>> -> memref<128x64xf32, #tpu.memory_space<hbm>>
            %dma_wait3A_348 = arith.constant 0 : i32
            %dma_wait3A_349 = arith.constant 0 : i32
            %dma_wait3A_350 = tpu.memref_slice %arg6[%dma_wait3A_340, %dma_wait3A_348, %dma_wait3A_349] : memref<6x128x64xf32, #tpu.memory_space<vmem>> -> memref<1x128x64xf32, #tpu.memory_space<vmem>>
            %dma_wait3A_351 = tpu.memref_squeeze %dma_wait3A_350 : memref<1x128x64xf32, #tpu.memory_space<vmem>> -> memref<128x64xf32, #tpu.memory_space<vmem>>
            %dma_wait3A_352 = arith.constant 0 : i32
            %dma_wait3A_353 = arith.constant 0 : i32
            %dma_wait3A_354 = tpu.memref_slice %arg2[%dma_wait3A_352, %dma_wait3A_353] : memref<100000x128xf32, #tpu.memory_space<hbm>> -> memref<128x64xf32, #tpu.memory_space<hbm>>
            tpu.wait_dma2 semaphore(%arg19 : memref<!tpu.dma_semaphore, #tpu.memory_space<semaphore_mem>>) src(%dma_wait3A_354 : memref<128x64xf32, #tpu.memory_space<hbm>>) dst(%dma_wait3A_351 : memref<128x64xf32, #tpu.memory_space<vmem>>)
          } else {
          }
          %mul3A_317 = arith.constant 128 : i32
          %mul3A_318 = arith.muli %add3A_308, %mul3A_317 : i32
          %multiple_of3A_319 = tpu.assume_multiple %mul3A_318, 8 : i32
          %dma_start3A_320 = arith.constant 5 : i32
          %dma_start3A_321 = arith.constant 0 : i32
          %dma_start3A_322 = arith.constant 0 : i32
          %dma_start3A_323 = tpu.memref_slice %arg6[%dma_start3A_320, %dma_start3A_321, %dma_start3A_322] : memref<6x128x64xf32, #tpu.memory_space<vmem>> -> memref<1x128x64xf32, #tpu.memory_space<vmem>>
          %dma_start3A_324 = tpu.memref_squeeze %dma_start3A_323 : memref<1x128x64xf32, #tpu.memory_space<vmem>> -> memref<128x64xf32, #tpu.memory_space<vmem>>
          %dma_start3A_325 = tpu.memref_slice %arg2[%multiple_of3A_319, %mul3A_0] : memref<100000x128xf32, #tpu.memory_space<hbm>> -> memref<128x64xf32, #tpu.memory_space<hbm>>
          %dma_start3A_326 = arith.constant 0 : i32
          %dma_start3A_327 = arith.constant 0 : i32
          %dma_start3A_328 = tpu.memref_slice %arg6[%dma_start3A_320, %dma_start3A_326, %dma_start3A_327] : memref<6x128x64xf32, #tpu.memory_space<vmem>> -> memref<1x128x64xf32, #tpu.memory_space<vmem>>
          %dma_start3A_329 = tpu.memref_squeeze %dma_start3A_328 : memref<1x128x64xf32, #tpu.memory_space<vmem>> -> memref<128x64xf32, #tpu.memory_space<vmem>>
          %dma_start3A_330 = tpu.memref_slice %arg2[%multiple_of3A_319, %mul3A_0] : memref<100000x128xf32, #tpu.memory_space<hbm>> -> memref<128x64xf32, #tpu.memory_space<hbm>>
          tpu.enqueue_dma source(%dma_start3A_330 : memref<128x64xf32, #tpu.memory_space<hbm>>) target(%dma_start3A_329 : memref<128x64xf32, #tpu.memory_space<vmem>>) target_semaphore(%arg13 : memref<!tpu.dma_semaphore, #tpu.memory_space<semaphore_mem>>)
          %dma_start3A_331 = arith.constant 5 : i32
          %dma_start3A_332 = arith.constant 0 : i32
          %dma_start3A_333 = tpu.memref_slice %arg5[%dma_start3A_331, %dma_start3A_332] : memref<6x128xi32, #tpu.memory_space<vmem>> -> memref<1x128xi32, #tpu.memory_space<vmem>>
          %dma_start3A_334 = tpu.memref_squeeze %dma_start3A_333 : memref<1x128xi32, #tpu.memory_space<vmem>> -> memref<128xi32, #tpu.memory_space<vmem>>
          %dma_start3A_335 = tpu.memref_slice %arg3[%multiple_of3A_319] : memref<100000xi32, #tpu.memory_space<hbm>> -> memref<128xi32, #tpu.memory_space<hbm>>
          %dma_start3A_336 = arith.constant 0 : i32
          %dma_start3A_337 = tpu.memref_slice %arg5[%dma_start3A_331, %dma_start3A_336] : memref<6x128xi32, #tpu.memory_space<vmem>> -> memref<1x128xi32, #tpu.memory_space<vmem>>
          %dma_start3A_338 = tpu.memref_squeeze %dma_start3A_337 : memref<1x128xi32, #tpu.memory_space<vmem>> -> memref<128xi32, #tpu.memory_space<vmem>>
          %dma_start3A_339 = tpu.memref_slice %arg3[%multiple_of3A_319] : memref<100000xi32, #tpu.memory_space<hbm>> -> memref<128xi32, #tpu.memory_space<hbm>>
          tpu.enqueue_dma source(%dma_start3A_339 : memref<128xi32, #tpu.memory_space<hbm>>) target(%dma_start3A_338 : memref<128xi32, #tpu.memory_space<vmem>>) target_semaphore(%arg13 : memref<!tpu.dma_semaphore, #tpu.memory_space<semaphore_mem>>)
        } else {
        }
      } else {
      }
      %mul3A_232 = arith.constant 6 : i32
      %mul3A_233 = arith.muli %mul3A_232, %scan3A_215 : i32
      %add3A_234 = arith.addi %div3A_12, %mul3A_233 : i32
      %add3A_235 = arith.constant 2 : i32
      %add3A_236 = arith.addi %add3A_234, %add3A_235 : i32
      %lt3A_237 = arith.cmpi slt, %add3A_236, %div3A_17 : i32
      %convert_element_type3A_238 = arith.extui %lt3A_237 : i1 to i32
      %cond3A_239 = arith.constant 0 : i32
      %cond3A_240 = arith.cmpi ne, %convert_element_type3A_238, %cond3A_239 : i32
      scf.if %cond3A_240 {
        %dma_wait3A_269 = arith.constant 2 : i32
        %dma_wait3A_270 = arith.constant 0 : i32
        %dma_wait3A_271 = arith.constant 0 : i32
        %dma_wait3A_272 = tpu.memref_slice %arg6[%dma_wait3A_269, %dma_wait3A_270, %dma_wait3A_271] : memref<6x128x64xf32, #tpu.memory_space<vmem>> -> memref<1x128x64xf32, #tpu.memory_space<vmem>>
        %dma_wait3A_273 = tpu.memref_squeeze %dma_wait3A_272 : memref<1x128x64xf32, #tpu.memory_space<vmem>> -> memref<128x64xf32, #tpu.memory_space<vmem>>
        %dma_wait3A_274 = arith.constant 0 : i32
        %dma_wait3A_275 = arith.constant 0 : i32
        %dma_wait3A_276 = tpu.memref_slice %arg2[%dma_wait3A_274, %dma_wait3A_275] : memref<100000x128xf32, #tpu.memory_space<hbm>> -> memref<128x64xf32, #tpu.memory_space<hbm>>
        %dma_wait3A_277 = arith.constant 0 : i32
        %dma_wait3A_278 = arith.constant 0 : i32
        %dma_wait3A_279 = tpu.memref_slice %arg6[%dma_wait3A_269, %dma_wait3A_277, %dma_wait3A_278] : memref<6x128x64xf32, #tpu.memory_space<vmem>> -> memref<1x128x64xf32, #tpu.memory_space<vmem>>
        %dma_wait3A_280 = tpu.memref_squeeze %dma_wait3A_279 : memref<1x128x64xf32, #tpu.memory_space<vmem>> -> memref<128x64xf32, #tpu.memory_space<vmem>>
        %dma_wait3A_281 = arith.constant 0 : i32
        %dma_wait3A_282 = arith.constant 0 : i32
        %dma_wait3A_283 = tpu.memref_slice %arg2[%dma_wait3A_281, %dma_wait3A_282] : memref<100000x128xf32, #tpu.memory_space<hbm>> -> memref<128x64xf32, #tpu.memory_space<hbm>>
        tpu.wait_dma2 semaphore(%arg10 : memref<!tpu.dma_semaphore, #tpu.memory_space<semaphore_mem>>) src(%dma_wait3A_283 : memref<128x64xf32, #tpu.memory_space<hbm>>) dst(%dma_wait3A_280 : memref<128x64xf32, #tpu.memory_space<vmem>>)
        %dma_wait3A_284 = arith.constant 2 : i32
        %dma_wait3A_285 = arith.constant 0 : i32
        %dma_wait3A_286 = tpu.memref_slice %arg5[%dma_wait3A_284, %dma_wait3A_285] : memref<6x128xi32, #tpu.memory_space<vmem>> -> memref<1x128xi32, #tpu.memory_space<vmem>>
        %dma_wait3A_287 = tpu.memref_squeeze %dma_wait3A_286 : memref<1x128xi32, #tpu.memory_space<vmem>> -> memref<128xi32, #tpu.memory_space<vmem>>
        %dma_wait3A_288 = arith.constant 0 : i32
        %dma_wait3A_289 = tpu.memref_slice %arg3[%dma_wait3A_288] : memref<100000xi32, #tpu.memory_space<hbm>> -> memref<128xi32, #tpu.memory_space<hbm>>
        %dma_wait3A_290 = arith.constant 0 : i32
        %dma_wait3A_291 = tpu.memref_slice %arg5[%dma_wait3A_284, %dma_wait3A_290] : memref<6x128xi32, #tpu.memory_space<vmem>> -> memref<1x128xi32, #tpu.memory_space<vmem>>
        %dma_wait3A_292 = tpu.memref_squeeze %dma_wait3A_291 : memref<1x128xi32, #tpu.memory_space<vmem>> -> memref<128xi32, #tpu.memory_space<vmem>>
        %dma_wait3A_293 = arith.constant 0 : i32
        %dma_wait3A_294 = tpu.memref_slice %arg3[%dma_wait3A_293] : memref<100000xi32, #tpu.memory_space<hbm>> -> memref<128xi32, #tpu.memory_space<hbm>>
        tpu.wait_dma2 semaphore(%arg10 : memref<!tpu.dma_semaphore, #tpu.memory_space<semaphore_mem>>) src(%dma_wait3A_294 : memref<128xi32, #tpu.memory_space<hbm>>) dst(%dma_wait3A_292 : memref<128xi32, #tpu.memory_space<vmem>>)
        %dma_start3A_295 = arith.constant 2 : i32
        %dma_start3A_296 = arith.constant 2 : i32
        %dma_start3A_297 = arith.constant 0 : i32
        %dma_start3A_298 = arith.constant 0 : i32
        %dma_start3A_299 = tpu.memref_slice %arg6[%dma_start3A_295, %dma_start3A_297, %dma_start3A_298] : memref<6x128x64xf32, #tpu.memory_space<vmem>> -> memref<1x128x64xf32, #tpu.memory_space<vmem>>
        %dma_start3A_300 = tpu.memref_squeeze %dma_start3A_299 : memref<1x128x64xf32, #tpu.memory_space<vmem>> -> memref<128x64xf32, #tpu.memory_space<vmem>>
        %dma_start3A_301 = arith.constant 0 : i32
        %dma_start3A_302 = tpu.memref_slice %arg5[%dma_start3A_296, %dma_start3A_301] : memref<6x128xi32, #tpu.memory_space<vmem>> -> memref<1x128xi32, #tpu.memory_space<vmem>>
        %dma_start3A_303 = tpu.memref_squeeze %dma_start3A_302 : memref<1x128xi32, #tpu.memory_space<vmem>> -> memref<128xi32, #tpu.memory_space<vmem>>
        %dma_start3A_304 = arith.constant 0 : i32
        %dma_start3A_305 = arith.constant 0 : i32
        %dma_start3A_306 = tpu.memref_slice %arg20[%dma_start3A_304, %dma_start3A_305] : memref<512x64xf32, #tpu.memory_space<vmem_shared>> -> memref<512x64xf32, #tpu.memory_space<vmem_shared>>
        tpu.enqueue_indirect_dma source(%dma_start3A_300 : memref<128x64xf32, #tpu.memory_space<vmem>>) target(%dma_start3A_306 : memref<512x64xf32, #tpu.memory_space<vmem_shared>>) offsets(%dma_start3A_303 : memref<128xi32, #tpu.memory_space<vmem>>) semaphore(%arg16 : memref<!tpu.dma_semaphore, #tpu.memory_space<semaphore_mem>>) {add = true}
        %add3A_307 = arith.constant 4 : i32
        %add3A_308 = arith.addi %add3A_236, %add3A_307 : i32
        %lt3A_309 = arith.cmpi slt, %add3A_308, %div3A_17 : i32
        %convert_element_type3A_310 = arith.extui %lt3A_309 : i1 to i32
        %cond3A_311 = arith.constant 0 : i32
        %cond3A_312 = arith.cmpi ne, %convert_element_type3A_310, %cond3A_311 : i32
        scf.if %cond3A_312 {
          %sub3A = arith.constant 6 : i32
          %sub3A_313 = arith.subi %add3A_308, %sub3A : i32
          %ge3A = arith.cmpi sge, %sub3A_313, %div3A_12 : i32
          %convert_element_type3A_314 = arith.extui %ge3A : i1 to i32
          %cond3A_315 = arith.constant 0 : i32
          %cond3A_316 = arith.cmpi ne, %convert_element_type3A_314, %cond3A_315 : i32
          scf.if %cond3A_316 {
            %dma_wait3A_340 = arith.constant 0 : i32
            %dma_wait3A_341 = arith.constant 0 : i32
            %dma_wait3A_342 = arith.constant 0 : i32
            %dma_wait3A_343 = tpu.memref_slice %arg6[%dma_wait3A_340, %dma_wait3A_341, %dma_wait3A_342] : memref<6x128x64xf32, #tpu.memory_space<vmem>> -> memref<1x128x64xf32, #tpu.memory_space<vmem>>
            %dma_wait3A_344 = tpu.memref_squeeze %dma_wait3A_343 : memref<1x128x64xf32, #tpu.memory_space<vmem>> -> memref<128x64xf32, #tpu.memory_space<vmem>>
            %dma_wait3A_345 = arith.constant 0 : i32
            %dma_wait3A_346 = arith.constant 0 : i32
            %dma_wait3A_347 = tpu.memref_slice %arg2[%dma_wait3A_345, %dma_wait3A_346] : memref<100000x128xf32, #tpu.memory_space<hbm>> -> memref<128x64xf32, #tpu.memory_space<hbm>>
            %dma_wait3A_348 = arith.constant 0 : i32
            %dma_wait3A_349 = arith.constant 0 : i32
            %dma_wait3A_350 = tpu.memref_slice %arg6[%dma_wait3A_340, %dma_wait3A_348, %dma_wait3A_349] : memref<6x128x64xf32, #tpu.memory_space<vmem>> -> memref<1x128x64xf32, #tpu.memory_space<vmem>>
            %dma_wait3A_351 = tpu.memref_squeeze %dma_wait3A_350 : memref<1x128x64xf32, #tpu.memory_space<vmem>> -> memref<128x64xf32, #tpu.memory_space<vmem>>
            %dma_wait3A_352 = arith.constant 0 : i32
            %dma_wait3A_353 = arith.constant 0 : i32
            %dma_wait3A_354 = tpu.memref_slice %arg2[%dma_wait3A_352, %dma_wait3A_353] : memref<100000x128xf32, #tpu.memory_space<hbm>> -> memref<128x64xf32, #tpu.memory_space<hbm>>
            tpu.wait_dma2 semaphore(%arg14 : memref<!tpu.dma_semaphore, #tpu.memory_space<semaphore_mem>>) src(%dma_wait3A_354 : memref<128x64xf32, #tpu.memory_space<hbm>>) dst(%dma_wait3A_351 : memref<128x64xf32, #tpu.memory_space<vmem>>)
          } else {
          }
          %mul3A_317 = arith.constant 128 : i32
          %mul3A_318 = arith.muli %add3A_308, %mul3A_317 : i32
          %multiple_of3A_319 = tpu.assume_multiple %mul3A_318, 8 : i32
          %dma_start3A_320 = arith.constant 0 : i32
          %dma_start3A_321 = arith.constant 0 : i32
          %dma_start3A_322 = arith.constant 0 : i32
          %dma_start3A_323 = tpu.memref_slice %arg6[%dma_start3A_320, %dma_start3A_321, %dma_start3A_322] : memref<6x128x64xf32, #tpu.memory_space<vmem>> -> memref<1x128x64xf32, #tpu.memory_space<vmem>>
          %dma_start3A_324 = tpu.memref_squeeze %dma_start3A_323 : memref<1x128x64xf32, #tpu.memory_space<vmem>> -> memref<128x64xf32, #tpu.memory_space<vmem>>
          %dma_start3A_325 = tpu.memref_slice %arg2[%multiple_of3A_319, %mul3A_0] : memref<100000x128xf32, #tpu.memory_space<hbm>> -> memref<128x64xf32, #tpu.memory_space<hbm>>
          %dma_start3A_326 = arith.constant 0 : i32
          %dma_start3A_327 = arith.constant 0 : i32
          %dma_start3A_328 = tpu.memref_slice %arg6[%dma_start3A_320, %dma_start3A_326, %dma_start3A_327] : memref<6x128x64xf32, #tpu.memory_space<vmem>> -> memref<1x128x64xf32, #tpu.memory_space<vmem>>
          %dma_start3A_329 = tpu.memref_squeeze %dma_start3A_328 : memref<1x128x64xf32, #tpu.memory_space<vmem>> -> memref<128x64xf32, #tpu.memory_space<vmem>>
          %dma_start3A_330 = tpu.memref_slice %arg2[%multiple_of3A_319, %mul3A_0] : memref<100000x128xf32, #tpu.memory_space<hbm>> -> memref<128x64xf32, #tpu.memory_space<hbm>>
          tpu.enqueue_dma source(%dma_start3A_330 : memref<128x64xf32, #tpu.memory_space<hbm>>) target(%dma_start3A_329 : memref<128x64xf32, #tpu.memory_space<vmem>>) target_semaphore(%arg8 : memref<!tpu.dma_semaphore, #tpu.memory_space<semaphore_mem>>)
          %dma_start3A_331 = arith.constant 0 : i32
          %dma_start3A_332 = arith.constant 0 : i32
          %dma_start3A_333 = tpu.memref_slice %arg5[%dma_start3A_331, %dma_start3A_332] : memref<6x128xi32, #tpu.memory_space<vmem>> -> memref<1x128xi32, #tpu.memory_space<vmem>>
          %dma_start3A_334 = tpu.memref_squeeze %dma_start3A_333 : memref<1x128xi32, #tpu.memory_space<vmem>> -> memref<128xi32, #tpu.memory_space<vmem>>
          %dma_start3A_335 = tpu.memref_slice %arg3[%multiple_of3A_319] : memref<100000xi32, #tpu.memory_space<hbm>> -> memref<128xi32, #tpu.memory_space<hbm>>
          %dma_start3A_336 = arith.constant 0 : i32
          %dma_start3A_337 = tpu.memref_slice %arg5[%dma_start3A_331, %dma_start3A_336] : memref<6x128xi32, #tpu.memory_space<vmem>> -> memref<1x128xi32, #tpu.memory_space<vmem>>
          %dma_start3A_338 = tpu.memref_squeeze %dma_start3A_337 : memref<1x128xi32, #tpu.memory_space<vmem>> -> memref<128xi32, #tpu.memory_space<vmem>>
          %dma_start3A_339 = tpu.memref_slice %arg3[%multiple_of3A_319] : memref<100000xi32, #tpu.memory_space<hbm>> -> memref<128xi32, #tpu.memory_space<hbm>>
          tpu.enqueue_dma source(%dma_start3A_339 : memref<128xi32, #tpu.memory_space<hbm>>) target(%dma_start3A_338 : memref<128xi32, #tpu.memory_space<vmem>>) target_semaphore(%arg8 : memref<!tpu.dma_semaphore, #tpu.memory_space<semaphore_mem>>)
        } else {
        }
      } else {
      }
      %mul3A_241 = arith.constant 6 : i32
      %mul3A_242 = arith.muli %mul3A_241, %scan3A_215 : i32
      %add3A_243 = arith.addi %div3A_12, %mul3A_242 : i32
      %add3A_244 = arith.constant 3 : i32
      %add3A_245 = arith.addi %add3A_243, %add3A_244 : i32
      %lt3A_246 = arith.cmpi slt, %add3A_245, %div3A_17 : i32
      %convert_element_type3A_247 = arith.extui %lt3A_246 : i1 to i32
      %cond3A_248 = arith.constant 0 : i32
      %cond3A_249 = arith.cmpi ne, %convert_element_type3A_247, %cond3A_248 : i32
      scf.if %cond3A_249 {
        %dma_wait3A_269 = arith.constant 3 : i32
        %dma_wait3A_270 = arith.constant 0 : i32
        %dma_wait3A_271 = arith.constant 0 : i32
        %dma_wait3A_272 = tpu.memref_slice %arg6[%dma_wait3A_269, %dma_wait3A_270, %dma_wait3A_271] : memref<6x128x64xf32, #tpu.memory_space<vmem>> -> memref<1x128x64xf32, #tpu.memory_space<vmem>>
        %dma_wait3A_273 = tpu.memref_squeeze %dma_wait3A_272 : memref<1x128x64xf32, #tpu.memory_space<vmem>> -> memref<128x64xf32, #tpu.memory_space<vmem>>
        %dma_wait3A_274 = arith.constant 0 : i32
        %dma_wait3A_275 = arith.constant 0 : i32
        %dma_wait3A_276 = tpu.memref_slice %arg2[%dma_wait3A_274, %dma_wait3A_275] : memref<100000x128xf32, #tpu.memory_space<hbm>> -> memref<128x64xf32, #tpu.memory_space<hbm>>
        %dma_wait3A_277 = arith.constant 0 : i32
        %dma_wait3A_278 = arith.constant 0 : i32
        %dma_wait3A_279 = tpu.memref_slice %arg6[%dma_wait3A_269, %dma_wait3A_277, %dma_wait3A_278] : memref<6x128x64xf32, #tpu.memory_space<vmem>> -> memref<1x128x64xf32, #tpu.memory_space<vmem>>
        %dma_wait3A_280 = tpu.memref_squeeze %dma_wait3A_279 : memref<1x128x64xf32, #tpu.memory_space<vmem>> -> memref<128x64xf32, #tpu.memory_space<vmem>>
        %dma_wait3A_281 = arith.constant 0 : i32
        %dma_wait3A_282 = arith.constant 0 : i32
        %dma_wait3A_283 = tpu.memref_slice %arg2[%dma_wait3A_281, %dma_wait3A_282] : memref<100000x128xf32, #tpu.memory_space<hbm>> -> memref<128x64xf32, #tpu.memory_space<hbm>>
        tpu.wait_dma2 semaphore(%arg11 : memref<!tpu.dma_semaphore, #tpu.memory_space<semaphore_mem>>) src(%dma_wait3A_283 : memref<128x64xf32, #tpu.memory_space<hbm>>) dst(%dma_wait3A_280 : memref<128x64xf32, #tpu.memory_space<vmem>>)
        %dma_wait3A_284 = arith.constant 3 : i32
        %dma_wait3A_285 = arith.constant 0 : i32
        %dma_wait3A_286 = tpu.memref_slice %arg5[%dma_wait3A_284, %dma_wait3A_285] : memref<6x128xi32, #tpu.memory_space<vmem>> -> memref<1x128xi32, #tpu.memory_space<vmem>>
        %dma_wait3A_287 = tpu.memref_squeeze %dma_wait3A_286 : memref<1x128xi32, #tpu.memory_space<vmem>> -> memref<128xi32, #tpu.memory_space<vmem>>
        %dma_wait3A_288 = arith.constant 0 : i32
        %dma_wait3A_289 = tpu.memref_slice %arg3[%dma_wait3A_288] : memref<100000xi32, #tpu.memory_space<hbm>> -> memref<128xi32, #tpu.memory_space<hbm>>
        %dma_wait3A_290 = arith.constant 0 : i32
        %dma_wait3A_291 = tpu.memref_slice %arg5[%dma_wait3A_284, %dma_wait3A_290] : memref<6x128xi32, #tpu.memory_space<vmem>> -> memref<1x128xi32, #tpu.memory_space<vmem>>
        %dma_wait3A_292 = tpu.memref_squeeze %dma_wait3A_291 : memref<1x128xi32, #tpu.memory_space<vmem>> -> memref<128xi32, #tpu.memory_space<vmem>>
        %dma_wait3A_293 = arith.constant 0 : i32
        %dma_wait3A_294 = tpu.memref_slice %arg3[%dma_wait3A_293] : memref<100000xi32, #tpu.memory_space<hbm>> -> memref<128xi32, #tpu.memory_space<hbm>>
        tpu.wait_dma2 semaphore(%arg11 : memref<!tpu.dma_semaphore, #tpu.memory_space<semaphore_mem>>) src(%dma_wait3A_294 : memref<128xi32, #tpu.memory_space<hbm>>) dst(%dma_wait3A_292 : memref<128xi32, #tpu.memory_space<vmem>>)
        %dma_start3A_295 = arith.constant 3 : i32
        %dma_start3A_296 = arith.constant 3 : i32
        %dma_start3A_297 = arith.constant 0 : i32
        %dma_start3A_298 = arith.constant 0 : i32
        %dma_start3A_299 = tpu.memref_slice %arg6[%dma_start3A_295, %dma_start3A_297, %dma_start3A_298] : memref<6x128x64xf32, #tpu.memory_space<vmem>> -> memref<1x128x64xf32, #tpu.memory_space<vmem>>
        %dma_start3A_300 = tpu.memref_squeeze %dma_start3A_299 : memref<1x128x64xf32, #tpu.memory_space<vmem>> -> memref<128x64xf32, #tpu.memory_space<vmem>>
        %dma_start3A_301 = arith.constant 0 : i32
        %dma_start3A_302 = tpu.memref_slice %arg5[%dma_start3A_296, %dma_start3A_301] : memref<6x128xi32, #tpu.memory_space<vmem>> -> memref<1x128xi32, #tpu.memory_space<vmem>>
        %dma_start3A_303 = tpu.memref_squeeze %dma_start3A_302 : memref<1x128xi32, #tpu.memory_space<vmem>> -> memref<128xi32, #tpu.memory_space<vmem>>
        %dma_start3A_304 = arith.constant 0 : i32
        %dma_start3A_305 = arith.constant 0 : i32
        %dma_start3A_306 = tpu.memref_slice %arg20[%dma_start3A_304, %dma_start3A_305] : memref<512x64xf32, #tpu.memory_space<vmem_shared>> -> memref<512x64xf32, #tpu.memory_space<vmem_shared>>
        tpu.enqueue_indirect_dma source(%dma_start3A_300 : memref<128x64xf32, #tpu.memory_space<vmem>>) target(%dma_start3A_306 : memref<512x64xf32, #tpu.memory_space<vmem_shared>>) offsets(%dma_start3A_303 : memref<128xi32, #tpu.memory_space<vmem>>) semaphore(%arg17 : memref<!tpu.dma_semaphore, #tpu.memory_space<semaphore_mem>>) {add = true}
        %add3A_307 = arith.constant 4 : i32
        %add3A_308 = arith.addi %add3A_245, %add3A_307 : i32
        %lt3A_309 = arith.cmpi slt, %add3A_308, %div3A_17 : i32
        %convert_element_type3A_310 = arith.extui %lt3A_309 : i1 to i32
        %cond3A_311 = arith.constant 0 : i32
        %cond3A_312 = arith.cmpi ne, %convert_element_type3A_310, %cond3A_311 : i32
        scf.if %cond3A_312 {
          %sub3A = arith.constant 6 : i32
          %sub3A_313 = arith.subi %add3A_308, %sub3A : i32
          %ge3A = arith.cmpi sge, %sub3A_313, %div3A_12 : i32
          %convert_element_type3A_314 = arith.extui %ge3A : i1 to i32
          %cond3A_315 = arith.constant 0 : i32
          %cond3A_316 = arith.cmpi ne, %convert_element_type3A_314, %cond3A_315 : i32
          scf.if %cond3A_316 {
            %dma_wait3A_340 = arith.constant 1 : i32
            %dma_wait3A_341 = arith.constant 0 : i32
            %dma_wait3A_342 = arith.constant 0 : i32
            %dma_wait3A_343 = tpu.memref_slice %arg6[%dma_wait3A_340, %dma_wait3A_341, %dma_wait3A_342] : memref<6x128x64xf32, #tpu.memory_space<vmem>> -> memref<1x128x64xf32, #tpu.memory_space<vmem>>
            %dma_wait3A_344 = tpu.memref_squeeze %dma_wait3A_343 : memref<1x128x64xf32, #tpu.memory_space<vmem>> -> memref<128x64xf32, #tpu.memory_space<vmem>>
            %dma_wait3A_345 = arith.constant 0 : i32
            %dma_wait3A_346 = arith.constant 0 : i32
            %dma_wait3A_347 = tpu.memref_slice %arg2[%dma_wait3A_345, %dma_wait3A_346] : memref<100000x128xf32, #tpu.memory_space<hbm>> -> memref<128x64xf32, #tpu.memory_space<hbm>>
            %dma_wait3A_348 = arith.constant 0 : i32
            %dma_wait3A_349 = arith.constant 0 : i32
            %dma_wait3A_350 = tpu.memref_slice %arg6[%dma_wait3A_340, %dma_wait3A_348, %dma_wait3A_349] : memref<6x128x64xf32, #tpu.memory_space<vmem>> -> memref<1x128x64xf32, #tpu.memory_space<vmem>>
            %dma_wait3A_351 = tpu.memref_squeeze %dma_wait3A_350 : memref<1x128x64xf32, #tpu.memory_space<vmem>> -> memref<128x64xf32, #tpu.memory_space<vmem>>
            %dma_wait3A_352 = arith.constant 0 : i32
            %dma_wait3A_353 = arith.constant 0 : i32
            %dma_wait3A_354 = tpu.memref_slice %arg2[%dma_wait3A_352, %dma_wait3A_353] : memref<100000x128xf32, #tpu.memory_space<hbm>> -> memref<128x64xf32, #tpu.memory_space<hbm>>
            tpu.wait_dma2 semaphore(%arg15 : memref<!tpu.dma_semaphore, #tpu.memory_space<semaphore_mem>>) src(%dma_wait3A_354 : memref<128x64xf32, #tpu.memory_space<hbm>>) dst(%dma_wait3A_351 : memref<128x64xf32, #tpu.memory_space<vmem>>)
          } else {
          }
          %mul3A_317 = arith.constant 128 : i32
          %mul3A_318 = arith.muli %add3A_308, %mul3A_317 : i32
          %multiple_of3A_319 = tpu.assume_multiple %mul3A_318, 8 : i32
          %dma_start3A_320 = arith.constant 1 : i32
          %dma_start3A_321 = arith.constant 0 : i32
          %dma_start3A_322 = arith.constant 0 : i32
          %dma_start3A_323 = tpu.memref_slice %arg6[%dma_start3A_320, %dma_start3A_321, %dma_start3A_322] : memref<6x128x64xf32, #tpu.memory_space<vmem>> -> memref<1x128x64xf32, #tpu.memory_space<vmem>>
          %dma_start3A_324 = tpu.memref_squeeze %dma_start3A_323 : memref<1x128x64xf32, #tpu.memory_space<vmem>> -> memref<128x64xf32, #tpu.memory_space<vmem>>
          %dma_start3A_325 = tpu.memref_slice %arg2[%multiple_of3A_319, %mul3A_0] : memref<100000x128xf32, #tpu.memory_space<hbm>> -> memref<128x64xf32, #tpu.memory_space<hbm>>
          %dma_start3A_326 = arith.constant 0 : i32
          %dma_start3A_327 = arith.constant 0 : i32
          %dma_start3A_328 = tpu.memref_slice %arg6[%dma_start3A_320, %dma_start3A_326, %dma_start3A_327] : memref<6x128x64xf32, #tpu.memory_space<vmem>> -> memref<1x128x64xf32, #tpu.memory_space<vmem>>
          %dma_start3A_329 = tpu.memref_squeeze %dma_start3A_328 : memref<1x128x64xf32, #tpu.memory_space<vmem>> -> memref<128x64xf32, #tpu.memory_space<vmem>>
          %dma_start3A_330 = tpu.memref_slice %arg2[%multiple_of3A_319, %mul3A_0] : memref<100000x128xf32, #tpu.memory_space<hbm>> -> memref<128x64xf32, #tpu.memory_space<hbm>>
          tpu.enqueue_dma source(%dma_start3A_330 : memref<128x64xf32, #tpu.memory_space<hbm>>) target(%dma_start3A_329 : memref<128x64xf32, #tpu.memory_space<vmem>>) target_semaphore(%arg9 : memref<!tpu.dma_semaphore, #tpu.memory_space<semaphore_mem>>)
          %dma_start3A_331 = arith.constant 1 : i32
          %dma_start3A_332 = arith.constant 0 : i32
          %dma_start3A_333 = tpu.memref_slice %arg5[%dma_start3A_331, %dma_start3A_332] : memref<6x128xi32, #tpu.memory_space<vmem>> -> memref<1x128xi32, #tpu.memory_space<vmem>>
          %dma_start3A_334 = tpu.memref_squeeze %dma_start3A_333 : memref<1x128xi32, #tpu.memory_space<vmem>> -> memref<128xi32, #tpu.memory_space<vmem>>
          %dma_start3A_335 = tpu.memref_slice %arg3[%multiple_of3A_319] : memref<100000xi32, #tpu.memory_space<hbm>> -> memref<128xi32, #tpu.memory_space<hbm>>
          %dma_start3A_336 = arith.constant 0 : i32
          %dma_start3A_337 = tpu.memref_slice %arg5[%dma_start3A_331, %dma_start3A_336] : memref<6x128xi32, #tpu.memory_space<vmem>> -> memref<1x128xi32, #tpu.memory_space<vmem>>
          %dma_start3A_338 = tpu.memref_squeeze %dma_start3A_337 : memref<1x128xi32, #tpu.memory_space<vmem>> -> memref<128xi32, #tpu.memory_space<vmem>>
          %dma_start3A_339 = tpu.memref_slice %arg3[%multiple_of3A_319] : memref<100000xi32, #tpu.memory_space<hbm>> -> memref<128xi32, #tpu.memory_space<hbm>>
          tpu.enqueue_dma source(%dma_start3A_339 : memref<128xi32, #tpu.memory_space<hbm>>) target(%dma_start3A_338 : memref<128xi32, #tpu.memory_space<vmem>>) target_semaphore(%arg9 : memref<!tpu.dma_semaphore, #tpu.memory_space<semaphore_mem>>)
        } else {
        }
      } else {
      }
      %mul3A_250 = arith.constant 6 : i32
      %mul3A_251 = arith.muli %mul3A_250, %scan3A_215 : i32
      %add3A_252 = arith.addi %div3A_12, %mul3A_251 : i32
      %add3A_253 = arith.constant 4 : i32
      %add3A_254 = arith.addi %add3A_252, %add3A_253 : i32
      %lt3A_255 = arith.cmpi slt, %add3A_254, %div3A_17 : i32
      %convert_element_type3A_256 = arith.extui %lt3A_255 : i1 to i32
      %cond3A_257 = arith.constant 0 : i32
      %cond3A_258 = arith.cmpi ne, %convert_element_type3A_256, %cond3A_257 : i32
      scf.if %cond3A_258 {
        %dma_wait3A_269 = arith.constant 4 : i32
        %dma_wait3A_270 = arith.constant 0 : i32
        %dma_wait3A_271 = arith.constant 0 : i32
        %dma_wait3A_272 = tpu.memref_slice %arg6[%dma_wait3A_269, %dma_wait3A_270, %dma_wait3A_271] : memref<6x128x64xf32, #tpu.memory_space<vmem>> -> memref<1x128x64xf32, #tpu.memory_space<vmem>>
        %dma_wait3A_273 = tpu.memref_squeeze %dma_wait3A_272 : memref<1x128x64xf32, #tpu.memory_space<vmem>> -> memref<128x64xf32, #tpu.memory_space<vmem>>
        %dma_wait3A_274 = arith.constant 0 : i32
        %dma_wait3A_275 = arith.constant 0 : i32
        %dma_wait3A_276 = tpu.memref_slice %arg2[%dma_wait3A_274, %dma_wait3A_275] : memref<100000x128xf32, #tpu.memory_space<hbm>> -> memref<128x64xf32, #tpu.memory_space<hbm>>
        %dma_wait3A_277 = arith.constant 0 : i32
        %dma_wait3A_278 = arith.constant 0 : i32
        %dma_wait3A_279 = tpu.memref_slice %arg6[%dma_wait3A_269, %dma_wait3A_277, %dma_wait3A_278] : memref<6x128x64xf32, #tpu.memory_space<vmem>> -> memref<1x128x64xf32, #tpu.memory_space<vmem>>
        %dma_wait3A_280 = tpu.memref_squeeze %dma_wait3A_279 : memref<1x128x64xf32, #tpu.memory_space<vmem>> -> memref<128x64xf32, #tpu.memory_space<vmem>>
        %dma_wait3A_281 = arith.constant 0 : i32
        %dma_wait3A_282 = arith.constant 0 : i32
        %dma_wait3A_283 = tpu.memref_slice %arg2[%dma_wait3A_281, %dma_wait3A_282] : memref<100000x128xf32, #tpu.memory_space<hbm>> -> memref<128x64xf32, #tpu.memory_space<hbm>>
        tpu.wait_dma2 semaphore(%arg12 : memref<!tpu.dma_semaphore, #tpu.memory_space<semaphore_mem>>) src(%dma_wait3A_283 : memref<128x64xf32, #tpu.memory_space<hbm>>) dst(%dma_wait3A_280 : memref<128x64xf32, #tpu.memory_space<vmem>>)
        %dma_wait3A_284 = arith.constant 4 : i32
        %dma_wait3A_285 = arith.constant 0 : i32
        %dma_wait3A_286 = tpu.memref_slice %arg5[%dma_wait3A_284, %dma_wait3A_285] : memref<6x128xi32, #tpu.memory_space<vmem>> -> memref<1x128xi32, #tpu.memory_space<vmem>>
        %dma_wait3A_287 = tpu.memref_squeeze %dma_wait3A_286 : memref<1x128xi32, #tpu.memory_space<vmem>> -> memref<128xi32, #tpu.memory_space<vmem>>
        %dma_wait3A_288 = arith.constant 0 : i32
        %dma_wait3A_289 = tpu.memref_slice %arg3[%dma_wait3A_288] : memref<100000xi32, #tpu.memory_space<hbm>> -> memref<128xi32, #tpu.memory_space<hbm>>
        %dma_wait3A_290 = arith.constant 0 : i32
        %dma_wait3A_291 = tpu.memref_slice %arg5[%dma_wait3A_284, %dma_wait3A_290] : memref<6x128xi32, #tpu.memory_space<vmem>> -> memref<1x128xi32, #tpu.memory_space<vmem>>
        %dma_wait3A_292 = tpu.memref_squeeze %dma_wait3A_291 : memref<1x128xi32, #tpu.memory_space<vmem>> -> memref<128xi32, #tpu.memory_space<vmem>>
        %dma_wait3A_293 = arith.constant 0 : i32
        %dma_wait3A_294 = tpu.memref_slice %arg3[%dma_wait3A_293] : memref<100000xi32, #tpu.memory_space<hbm>> -> memref<128xi32, #tpu.memory_space<hbm>>
        tpu.wait_dma2 semaphore(%arg12 : memref<!tpu.dma_semaphore, #tpu.memory_space<semaphore_mem>>) src(%dma_wait3A_294 : memref<128xi32, #tpu.memory_space<hbm>>) dst(%dma_wait3A_292 : memref<128xi32, #tpu.memory_space<vmem>>)
        %dma_start3A_295 = arith.constant 4 : i32
        %dma_start3A_296 = arith.constant 4 : i32
        %dma_start3A_297 = arith.constant 0 : i32
        %dma_start3A_298 = arith.constant 0 : i32
        %dma_start3A_299 = tpu.memref_slice %arg6[%dma_start3A_295, %dma_start3A_297, %dma_start3A_298] : memref<6x128x64xf32, #tpu.memory_space<vmem>> -> memref<1x128x64xf32, #tpu.memory_space<vmem>>
        %dma_start3A_300 = tpu.memref_squeeze %dma_start3A_299 : memref<1x128x64xf32, #tpu.memory_space<vmem>> -> memref<128x64xf32, #tpu.memory_space<vmem>>
        %dma_start3A_301 = arith.constant 0 : i32
        %dma_start3A_302 = tpu.memref_slice %arg5[%dma_start3A_296, %dma_start3A_301] : memref<6x128xi32, #tpu.memory_space<vmem>> -> memref<1x128xi32, #tpu.memory_space<vmem>>
        %dma_start3A_303 = tpu.memref_squeeze %dma_start3A_302 : memref<1x128xi32, #tpu.memory_space<vmem>> -> memref<128xi32, #tpu.memory_space<vmem>>
        %dma_start3A_304 = arith.constant 0 : i32
        %dma_start3A_305 = arith.constant 0 : i32
        %dma_start3A_306 = tpu.memref_slice %arg20[%dma_start3A_304, %dma_start3A_305] : memref<512x64xf32, #tpu.memory_space<vmem_shared>> -> memref<512x64xf32, #tpu.memory_space<vmem_shared>>
        tpu.enqueue_indirect_dma source(%dma_start3A_300 : memref<128x64xf32, #tpu.memory_space<vmem>>) target(%dma_start3A_306 : memref<512x64xf32, #tpu.memory_space<vmem_shared>>) offsets(%dma_start3A_303 : memref<128xi32, #tpu.memory_space<vmem>>) semaphore(%arg18 : memref<!tpu.dma_semaphore, #tpu.memory_space<semaphore_mem>>) {add = true}
        %add3A_307 = arith.constant 4 : i32
        %add3A_308 = arith.addi %add3A_254, %add3A_307 : i32
        %lt3A_309 = arith.cmpi slt, %add3A_308, %div3A_17 : i32
        %convert_element_type3A_310 = arith.extui %lt3A_309 : i1 to i32
        %cond3A_311 = arith.constant 0 : i32
        %cond3A_312 = arith.cmpi ne, %convert_element_type3A_310, %cond3A_311 : i32
        scf.if %cond3A_312 {
          %sub3A = arith.constant 6 : i32
          %sub3A_313 = arith.subi %add3A_308, %sub3A : i32
          %ge3A = arith.cmpi sge, %sub3A_313, %div3A_12 : i32
          %convert_element_type3A_314 = arith.extui %ge3A : i1 to i32
          %cond3A_315 = arith.constant 0 : i32
          %cond3A_316 = arith.cmpi ne, %convert_element_type3A_314, %cond3A_315 : i32
          scf.if %cond3A_316 {
            %dma_wait3A_340 = arith.constant 2 : i32
            %dma_wait3A_341 = arith.constant 0 : i32
            %dma_wait3A_342 = arith.constant 0 : i32
            %dma_wait3A_343 = tpu.memref_slice %arg6[%dma_wait3A_340, %dma_wait3A_341, %dma_wait3A_342] : memref<6x128x64xf32, #tpu.memory_space<vmem>> -> memref<1x128x64xf32, #tpu.memory_space<vmem>>
            %dma_wait3A_344 = tpu.memref_squeeze %dma_wait3A_343 : memref<1x128x64xf32, #tpu.memory_space<vmem>> -> memref<128x64xf32, #tpu.memory_space<vmem>>
            %dma_wait3A_345 = arith.constant 0 : i32
            %dma_wait3A_346 = arith.constant 0 : i32
            %dma_wait3A_347 = tpu.memref_slice %arg2[%dma_wait3A_345, %dma_wait3A_346] : memref<100000x128xf32, #tpu.memory_space<hbm>> -> memref<128x64xf32, #tpu.memory_space<hbm>>
            %dma_wait3A_348 = arith.constant 0 : i32
            %dma_wait3A_349 = arith.constant 0 : i32
            %dma_wait3A_350 = tpu.memref_slice %arg6[%dma_wait3A_340, %dma_wait3A_348, %dma_wait3A_349] : memref<6x128x64xf32, #tpu.memory_space<vmem>> -> memref<1x128x64xf32, #tpu.memory_space<vmem>>
            %dma_wait3A_351 = tpu.memref_squeeze %dma_wait3A_350 : memref<1x128x64xf32, #tpu.memory_space<vmem>> -> memref<128x64xf32, #tpu.memory_space<vmem>>
            %dma_wait3A_352 = arith.constant 0 : i32
            %dma_wait3A_353 = arith.constant 0 : i32
            %dma_wait3A_354 = tpu.memref_slice %arg2[%dma_wait3A_352, %dma_wait3A_353] : memref<100000x128xf32, #tpu.memory_space<hbm>> -> memref<128x64xf32, #tpu.memory_space<hbm>>
            tpu.wait_dma2 semaphore(%arg16 : memref<!tpu.dma_semaphore, #tpu.memory_space<semaphore_mem>>) src(%dma_wait3A_354 : memref<128x64xf32, #tpu.memory_space<hbm>>) dst(%dma_wait3A_351 : memref<128x64xf32, #tpu.memory_space<vmem>>)
          } else {
          }
          %mul3A_317 = arith.constant 128 : i32
          %mul3A_318 = arith.muli %add3A_308, %mul3A_317 : i32
          %multiple_of3A_319 = tpu.assume_multiple %mul3A_318, 8 : i32
          %dma_start3A_320 = arith.constant 2 : i32
          %dma_start3A_321 = arith.constant 0 : i32
          %dma_start3A_322 = arith.constant 0 : i32
          %dma_start3A_323 = tpu.memref_slice %arg6[%dma_start3A_320, %dma_start3A_321, %dma_start3A_322] : memref<6x128x64xf32, #tpu.memory_space<vmem>> -> memref<1x128x64xf32, #tpu.memory_space<vmem>>
          %dma_start3A_324 = tpu.memref_squeeze %dma_start3A_323 : memref<1x128x64xf32, #tpu.memory_space<vmem>> -> memref<128x64xf32, #tpu.memory_space<vmem>>
          %dma_start3A_325 = tpu.memref_slice %arg2[%multiple_of3A_319, %mul3A_0] : memref<100000x128xf32, #tpu.memory_space<hbm>> -> memref<128x64xf32, #tpu.memory_space<hbm>>
          %dma_start3A_326 = arith.constant 0 : i32
          %dma_start3A_327 = arith.constant 0 : i32
          %dma_start3A_328 = tpu.memref_slice %arg6[%dma_start3A_320, %dma_start3A_326, %dma_start3A_327] : memref<6x128x64xf32, #tpu.memory_space<vmem>> -> memref<1x128x64xf32, #tpu.memory_space<vmem>>
          %dma_start3A_329 = tpu.memref_squeeze %dma_start3A_328 : memref<1x128x64xf32, #tpu.memory_space<vmem>> -> memref<128x64xf32, #tpu.memory_space<vmem>>
          %dma_start3A_330 = tpu.memref_slice %arg2[%multiple_of3A_319, %mul3A_0] : memref<100000x128xf32, #tpu.memory_space<hbm>> -> memref<128x64xf32, #tpu.memory_space<hbm>>
          tpu.enqueue_dma source(%dma_start3A_330 : memref<128x64xf32, #tpu.memory_space<hbm>>) target(%dma_start3A_329 : memref<128x64xf32, #tpu.memory_space<vmem>>) target_semaphore(%arg10 : memref<!tpu.dma_semaphore, #tpu.memory_space<semaphore_mem>>)
          %dma_start3A_331 = arith.constant 2 : i32
          %dma_start3A_332 = arith.constant 0 : i32
          %dma_start3A_333 = tpu.memref_slice %arg5[%dma_start3A_331, %dma_start3A_332] : memref<6x128xi32, #tpu.memory_space<vmem>> -> memref<1x128xi32, #tpu.memory_space<vmem>>
          %dma_start3A_334 = tpu.memref_squeeze %dma_start3A_333 : memref<1x128xi32, #tpu.memory_space<vmem>> -> memref<128xi32, #tpu.memory_space<vmem>>
          %dma_start3A_335 = tpu.memref_slice %arg3[%multiple_of3A_319] : memref<100000xi32, #tpu.memory_space<hbm>> -> memref<128xi32, #tpu.memory_space<hbm>>
          %dma_start3A_336 = arith.constant 0 : i32
          %dma_start3A_337 = tpu.memref_slice %arg5[%dma_start3A_331, %dma_start3A_336] : memref<6x128xi32, #tpu.memory_space<vmem>> -> memref<1x128xi32, #tpu.memory_space<vmem>>
          %dma_start3A_338 = tpu.memref_squeeze %dma_start3A_337 : memref<1x128xi32, #tpu.memory_space<vmem>> -> memref<128xi32, #tpu.memory_space<vmem>>
          %dma_start3A_339 = tpu.memref_slice %arg3[%multiple_of3A_319] : memref<100000xi32, #tpu.memory_space<hbm>> -> memref<128xi32, #tpu.memory_space<hbm>>
          tpu.enqueue_dma source(%dma_start3A_339 : memref<128xi32, #tpu.memory_space<hbm>>) target(%dma_start3A_338 : memref<128xi32, #tpu.memory_space<vmem>>) target_semaphore(%arg10 : memref<!tpu.dma_semaphore, #tpu.memory_space<semaphore_mem>>)
        } else {
        }
      } else {
      }
      %mul3A_259 = arith.constant 6 : i32
      %mul3A_260 = arith.muli %mul3A_259, %scan3A_215 : i32
      %add3A_261 = arith.addi %div3A_12, %mul3A_260 : i32
      %add3A_262 = arith.constant 5 : i32
      %add3A_263 = arith.addi %add3A_261, %add3A_262 : i32
      %lt3A_264 = arith.cmpi slt, %add3A_263, %div3A_17 : i32
      %convert_element_type3A_265 = arith.extui %lt3A_264 : i1 to i32
      %cond3A_266 = arith.constant 0 : i32
      %cond3A_267 = arith.cmpi ne, %convert_element_type3A_265, %cond3A_266 : i32
      scf.if %cond3A_267 {
        %dma_wait3A_269 = arith.constant 5 : i32
        %dma_wait3A_270 = arith.constant 0 : i32
        %dma_wait3A_271 = arith.constant 0 : i32
        %dma_wait3A_272 = tpu.memref_slice %arg6[%dma_wait3A_269, %dma_wait3A_270, %dma_wait3A_271] : memref<6x128x64xf32, #tpu.memory_space<vmem>> -> memref<1x128x64xf32, #tpu.memory_space<vmem>>
        %dma_wait3A_273 = tpu.memref_squeeze %dma_wait3A_272 : memref<1x128x64xf32, #tpu.memory_space<vmem>> -> memref<128x64xf32, #tpu.memory_space<vmem>>
        %dma_wait3A_274 = arith.constant 0 : i32
        %dma_wait3A_275 = arith.constant 0 : i32
        %dma_wait3A_276 = tpu.memref_slice %arg2[%dma_wait3A_274, %dma_wait3A_275] : memref<100000x128xf32, #tpu.memory_space<hbm>> -> memref<128x64xf32, #tpu.memory_space<hbm>>
        %dma_wait3A_277 = arith.constant 0 : i32
        %dma_wait3A_278 = arith.constant 0 : i32
        %dma_wait3A_279 = tpu.memref_slice %arg6[%dma_wait3A_269, %dma_wait3A_277, %dma_wait3A_278] : memref<6x128x64xf32, #tpu.memory_space<vmem>> -> memref<1x128x64xf32, #tpu.memory_space<vmem>>
        %dma_wait3A_280 = tpu.memref_squeeze %dma_wait3A_279 : memref<1x128x64xf32, #tpu.memory_space<vmem>> -> memref<128x64xf32, #tpu.memory_space<vmem>>
        %dma_wait3A_281 = arith.constant 0 : i32
        %dma_wait3A_282 = arith.constant 0 : i32
        %dma_wait3A_283 = tpu.memref_slice %arg2[%dma_wait3A_281, %dma_wait3A_282] : memref<100000x128xf32, #tpu.memory_space<hbm>> -> memref<128x64xf32, #tpu.memory_space<hbm>>
        tpu.wait_dma2 semaphore(%arg13 : memref<!tpu.dma_semaphore, #tpu.memory_space<semaphore_mem>>) src(%dma_wait3A_283 : memref<128x64xf32, #tpu.memory_space<hbm>>) dst(%dma_wait3A_280 : memref<128x64xf32, #tpu.memory_space<vmem>>)
        %dma_wait3A_284 = arith.constant 5 : i32
        %dma_wait3A_285 = arith.constant 0 : i32
        %dma_wait3A_286 = tpu.memref_slice %arg5[%dma_wait3A_284, %dma_wait3A_285] : memref<6x128xi32, #tpu.memory_space<vmem>> -> memref<1x128xi32, #tpu.memory_space<vmem>>
        %dma_wait3A_287 = tpu.memref_squeeze %dma_wait3A_286 : memref<1x128xi32, #tpu.memory_space<vmem>> -> memref<128xi32, #tpu.memory_space<vmem>>
        %dma_wait3A_288 = arith.constant 0 : i32
        %dma_wait3A_289 = tpu.memref_slice %arg3[%dma_wait3A_288] : memref<100000xi32, #tpu.memory_space<hbm>> -> memref<128xi32, #tpu.memory_space<hbm>>
        %dma_wait3A_290 = arith.constant 0 : i32
        %dma_wait3A_291 = tpu.memref_slice %arg5[%dma_wait3A_284, %dma_wait3A_290] : memref<6x128xi32, #tpu.memory_space<vmem>> -> memref<1x128xi32, #tpu.memory_space<vmem>>
        %dma_wait3A_292 = tpu.memref_squeeze %dma_wait3A_291 : memref<1x128xi32, #tpu.memory_space<vmem>> -> memref<128xi32, #tpu.memory_space<vmem>>
        %dma_wait3A_293 = arith.constant 0 : i32
        %dma_wait3A_294 = tpu.memref_slice %arg3[%dma_wait3A_293] : memref<100000xi32, #tpu.memory_space<hbm>> -> memref<128xi32, #tpu.memory_space<hbm>>
        tpu.wait_dma2 semaphore(%arg13 : memref<!tpu.dma_semaphore, #tpu.memory_space<semaphore_mem>>) src(%dma_wait3A_294 : memref<128xi32, #tpu.memory_space<hbm>>) dst(%dma_wait3A_292 : memref<128xi32, #tpu.memory_space<vmem>>)
        %dma_start3A_295 = arith.constant 5 : i32
        %dma_start3A_296 = arith.constant 5 : i32
        %dma_start3A_297 = arith.constant 0 : i32
        %dma_start3A_298 = arith.constant 0 : i32
        %dma_start3A_299 = tpu.memref_slice %arg6[%dma_start3A_295, %dma_start3A_297, %dma_start3A_298] : memref<6x128x64xf32, #tpu.memory_space<vmem>> -> memref<1x128x64xf32, #tpu.memory_space<vmem>>
        %dma_start3A_300 = tpu.memref_squeeze %dma_start3A_299 : memref<1x128x64xf32, #tpu.memory_space<vmem>> -> memref<128x64xf32, #tpu.memory_space<vmem>>
        %dma_start3A_301 = arith.constant 0 : i32
        %dma_start3A_302 = tpu.memref_slice %arg5[%dma_start3A_296, %dma_start3A_301] : memref<6x128xi32, #tpu.memory_space<vmem>> -> memref<1x128xi32, #tpu.memory_space<vmem>>
        %dma_start3A_303 = tpu.memref_squeeze %dma_start3A_302 : memref<1x128xi32, #tpu.memory_space<vmem>> -> memref<128xi32, #tpu.memory_space<vmem>>
        %dma_start3A_304 = arith.constant 0 : i32
        %dma_start3A_305 = arith.constant 0 : i32
        %dma_start3A_306 = tpu.memref_slice %arg20[%dma_start3A_304, %dma_start3A_305] : memref<512x64xf32, #tpu.memory_space<vmem_shared>> -> memref<512x64xf32, #tpu.memory_space<vmem_shared>>
        tpu.enqueue_indirect_dma source(%dma_start3A_300 : memref<128x64xf32, #tpu.memory_space<vmem>>) target(%dma_start3A_306 : memref<512x64xf32, #tpu.memory_space<vmem_shared>>) offsets(%dma_start3A_303 : memref<128xi32, #tpu.memory_space<vmem>>) semaphore(%arg19 : memref<!tpu.dma_semaphore, #tpu.memory_space<semaphore_mem>>) {add = true}
        %add3A_307 = arith.constant 4 : i32
        %add3A_308 = arith.addi %add3A_263, %add3A_307 : i32
        %lt3A_309 = arith.cmpi slt, %add3A_308, %div3A_17 : i32
        %convert_element_type3A_310 = arith.extui %lt3A_309 : i1 to i32
        %cond3A_311 = arith.constant 0 : i32
        %cond3A_312 = arith.cmpi ne, %convert_element_type3A_310, %cond3A_311 : i32
        scf.if %cond3A_312 {
          %sub3A = arith.constant 6 : i32
          %sub3A_313 = arith.subi %add3A_308, %sub3A : i32
          %ge3A = arith.cmpi sge, %sub3A_313, %div3A_12 : i32
          %convert_element_type3A_314 = arith.extui %ge3A : i1 to i32
          %cond3A_315 = arith.constant 0 : i32
          %cond3A_316 = arith.cmpi ne, %convert_element_type3A_314, %cond3A_315 : i32
          scf.if %cond3A_316 {
            %dma_wait3A_340 = arith.constant 3 : i32
            %dma_wait3A_341 = arith.constant 0 : i32
            %dma_wait3A_342 = arith.constant 0 : i32
            %dma_wait3A_343 = tpu.memref_slice %arg6[%dma_wait3A_340, %dma_wait3A_341, %dma_wait3A_342] : memref<6x128x64xf32, #tpu.memory_space<vmem>> -> memref<1x128x64xf32, #tpu.memory_space<vmem>>
            %dma_wait3A_344 = tpu.memref_squeeze %dma_wait3A_343 : memref<1x128x64xf32, #tpu.memory_space<vmem>> -> memref<128x64xf32, #tpu.memory_space<vmem>>
            %dma_wait3A_345 = arith.constant 0 : i32
            %dma_wait3A_346 = arith.constant 0 : i32
            %dma_wait3A_347 = tpu.memref_slice %arg2[%dma_wait3A_345, %dma_wait3A_346] : memref<100000x128xf32, #tpu.memory_space<hbm>> -> memref<128x64xf32, #tpu.memory_space<hbm>>
            %dma_wait3A_348 = arith.constant 0 : i32
            %dma_wait3A_349 = arith.constant 0 : i32
            %dma_wait3A_350 = tpu.memref_slice %arg6[%dma_wait3A_340, %dma_wait3A_348, %dma_wait3A_349] : memref<6x128x64xf32, #tpu.memory_space<vmem>> -> memref<1x128x64xf32, #tpu.memory_space<vmem>>
            %dma_wait3A_351 = tpu.memref_squeeze %dma_wait3A_350 : memref<1x128x64xf32, #tpu.memory_space<vmem>> -> memref<128x64xf32, #tpu.memory_space<vmem>>
            %dma_wait3A_352 = arith.constant 0 : i32
            %dma_wait3A_353 = arith.constant 0 : i32
            %dma_wait3A_354 = tpu.memref_slice %arg2[%dma_wait3A_352, %dma_wait3A_353] : memref<100000x128xf32, #tpu.memory_space<hbm>> -> memref<128x64xf32, #tpu.memory_space<hbm>>
            tpu.wait_dma2 semaphore(%arg17 : memref<!tpu.dma_semaphore, #tpu.memory_space<semaphore_mem>>) src(%dma_wait3A_354 : memref<128x64xf32, #tpu.memory_space<hbm>>) dst(%dma_wait3A_351 : memref<128x64xf32, #tpu.memory_space<vmem>>)
          } else {
          }
          %mul3A_317 = arith.constant 128 : i32
          %mul3A_318 = arith.muli %add3A_308, %mul3A_317 : i32
          %multiple_of3A_319 = tpu.assume_multiple %mul3A_318, 8 : i32
          %dma_start3A_320 = arith.constant 3 : i32
          %dma_start3A_321 = arith.constant 0 : i32
          %dma_start3A_322 = arith.constant 0 : i32
          %dma_start3A_323 = tpu.memref_slice %arg6[%dma_start3A_320, %dma_start3A_321, %dma_start3A_322] : memref<6x128x64xf32, #tpu.memory_space<vmem>> -> memref<1x128x64xf32, #tpu.memory_space<vmem>>
          %dma_start3A_324 = tpu.memref_squeeze %dma_start3A_323 : memref<1x128x64xf32, #tpu.memory_space<vmem>> -> memref<128x64xf32, #tpu.memory_space<vmem>>
          %dma_start3A_325 = tpu.memref_slice %arg2[%multiple_of3A_319, %mul3A_0] : memref<100000x128xf32, #tpu.memory_space<hbm>> -> memref<128x64xf32, #tpu.memory_space<hbm>>
          %dma_start3A_326 = arith.constant 0 : i32
          %dma_start3A_327 = arith.constant 0 : i32
          %dma_start3A_328 = tpu.memref_slice %arg6[%dma_start3A_320, %dma_start3A_326, %dma_start3A_327] : memref<6x128x64xf32, #tpu.memory_space<vmem>> -> memref<1x128x64xf32, #tpu.memory_space<vmem>>
          %dma_start3A_329 = tpu.memref_squeeze %dma_start3A_328 : memref<1x128x64xf32, #tpu.memory_space<vmem>> -> memref<128x64xf32, #tpu.memory_space<vmem>>
          %dma_start3A_330 = tpu.memref_slice %arg2[%multiple_of3A_319, %mul3A_0] : memref<100000x128xf32, #tpu.memory_space<hbm>> -> memref<128x64xf32, #tpu.memory_space<hbm>>
          tpu.enqueue_dma source(%dma_start3A_330 : memref<128x64xf32, #tpu.memory_space<hbm>>) target(%dma_start3A_329 : memref<128x64xf32, #tpu.memory_space<vmem>>) target_semaphore(%arg11 : memref<!tpu.dma_semaphore, #tpu.memory_space<semaphore_mem>>)
          %dma_start3A_331 = arith.constant 3 : i32
          %dma_start3A_332 = arith.constant 0 : i32
          %dma_start3A_333 = tpu.memref_slice %arg5[%dma_start3A_331, %dma_start3A_332] : memref<6x128xi32, #tpu.memory_space<vmem>> -> memref<1x128xi32, #tpu.memory_space<vmem>>
          %dma_start3A_334 = tpu.memref_squeeze %dma_start3A_333 : memref<1x128xi32, #tpu.memory_space<vmem>> -> memref<128xi32, #tpu.memory_space<vmem>>
          %dma_start3A_335 = tpu.memref_slice %arg3[%multiple_of3A_319] : memref<100000xi32, #tpu.memory_space<hbm>> -> memref<128xi32, #tpu.memory_space<hbm>>
          %dma_start3A_336 = arith.constant 0 : i32
          %dma_start3A_337 = tpu.memref_slice %arg5[%dma_start3A_331, %dma_start3A_336] : memref<6x128xi32, #tpu.memory_space<vmem>> -> memref<1x128xi32, #tpu.memory_space<vmem>>
          %dma_start3A_338 = tpu.memref_squeeze %dma_start3A_337 : memref<1x128xi32, #tpu.memory_space<vmem>> -> memref<128xi32, #tpu.memory_space<vmem>>
          %dma_start3A_339 = tpu.memref_slice %arg3[%multiple_of3A_319] : memref<100000xi32, #tpu.memory_space<hbm>> -> memref<128xi32, #tpu.memory_space<hbm>>
          tpu.enqueue_dma source(%dma_start3A_339 : memref<128xi32, #tpu.memory_space<hbm>>) target(%dma_start3A_338 : memref<128xi32, #tpu.memory_space<vmem>>) target_semaphore(%arg11 : memref<!tpu.dma_semaphore, #tpu.memory_space<semaphore_mem>>)
        } else {
        }
      } else {
      }
      %scan3A_268 = arith.constant 0 : i32
      scf.yield %scan3A_268 : i32
    }
    %scan3A_120 = arith.constant 8 : i32
    %dma_wait3A = arith.constant 0 : i32
    %dma_wait3A_121 = arith.constant 0 : i32
    %dma_wait3A_122 = arith.constant 0 : i32
    %dma_wait3A_123 = tpu.memref_slice %arg6[%dma_wait3A, %dma_wait3A_121, %dma_wait3A_122] : memref<6x128x64xf32, #tpu.memory_space<vmem>> -> memref<1x128x64xf32, #tpu.memory_space<vmem>>
    %dma_wait3A_124 = tpu.memref_squeeze %dma_wait3A_123 : memref<1x128x64xf32, #tpu.memory_space<vmem>> -> memref<128x64xf32, #tpu.memory_space<vmem>>
    %dma_wait3A_125 = arith.constant 0 : i32
    %dma_wait3A_126 = arith.constant 0 : i32
    %dma_wait3A_127 = tpu.memref_slice %arg2[%dma_wait3A_125, %dma_wait3A_126] : memref<100000x128xf32, #tpu.memory_space<hbm>> -> memref<128x64xf32, #tpu.memory_space<hbm>>
    %dma_wait3A_128 = arith.constant 0 : i32
    %dma_wait3A_129 = arith.constant 0 : i32
    %dma_wait3A_130 = tpu.memref_slice %arg6[%dma_wait3A, %dma_wait3A_128, %dma_wait3A_129] : memref<6x128x64xf32, #tpu.memory_space<vmem>> -> memref<1x128x64xf32, #tpu.memory_space<vmem>>
    %dma_wait3A_131 = tpu.memref_squeeze %dma_wait3A_130 : memref<1x128x64xf32, #tpu.memory_space<vmem>> -> memref<128x64xf32, #tpu.memory_space<vmem>>
    %dma_wait3A_132 = arith.constant 0 : i32
    %dma_wait3A_133 = arith.constant 0 : i32
    %dma_wait3A_134 = tpu.memref_slice %arg2[%dma_wait3A_132, %dma_wait3A_133] : memref<100000x128xf32, #tpu.memory_space<hbm>> -> memref<128x64xf32, #tpu.memory_space<hbm>>
    tpu.wait_dma2 semaphore(%arg14 : memref<!tpu.dma_semaphore, #tpu.memory_space<semaphore_mem>>) src(%dma_wait3A_134 : memref<128x64xf32, #tpu.memory_space<hbm>>) dst(%dma_wait3A_131 : memref<128x64xf32, #tpu.memory_space<vmem>>)
    %dma_wait3A_135 = arith.constant 1 : i32
    %dma_wait3A_136 = arith.constant 0 : i32
    %dma_wait3A_137 = arith.constant 0 : i32
    %dma_wait3A_138 = tpu.memref_slice %arg6[%dma_wait3A_135, %dma_wait3A_136, %dma_wait3A_137] : memref<6x128x64xf32, #tpu.memory_space<vmem>> -> memref<1x128x64xf32, #tpu.memory_space<vmem>>
    %dma_wait3A_139 = tpu.memref_squeeze %dma_wait3A_138 : memref<1x128x64xf32, #tpu.memory_space<vmem>> -> memref<128x64xf32, #tpu.memory_space<vmem>>
    %dma_wait3A_140 = arith.constant 0 : i32
    %dma_wait3A_141 = arith.constant 0 : i32
    %dma_wait3A_142 = tpu.memref_slice %arg2[%dma_wait3A_140, %dma_wait3A_141] : memref<100000x128xf32, #tpu.memory_space<hbm>> -> memref<128x64xf32, #tpu.memory_space<hbm>>
    %dma_wait3A_143 = arith.constant 0 : i32
    %dma_wait3A_144 = arith.constant 0 : i32
    %dma_wait3A_145 = tpu.memref_slice %arg6[%dma_wait3A_135, %dma_wait3A_143, %dma_wait3A_144] : memref<6x128x64xf32, #tpu.memory_space<vmem>> -> memref<1x128x64xf32, #tpu.memory_space<vmem>>
    %dma_wait3A_146 = tpu.memref_squeeze %dma_wait3A_145 : memref<1x128x64xf32, #tpu.memory_space<vmem>> -> memref<128x64xf32, #tpu.memory_space<vmem>>
    %dma_wait3A_147 = arith.constant 0 : i32
    %dma_wait3A_148 = arith.constant 0 : i32
    %dma_wait3A_149 = tpu.memref_slice %arg2[%dma_wait3A_147, %dma_wait3A_148] : memref<100000x128xf32, #tpu.memory_space<hbm>> -> memref<128x64xf32, #tpu.memory_space<hbm>>
    tpu.wait_dma2 semaphore(%arg15 : memref<!tpu.dma_semaphore, #tpu.memory_space<semaphore_mem>>) src(%dma_wait3A_149 : memref<128x64xf32, #tpu.memory_space<hbm>>) dst(%dma_wait3A_146 : memref<128x64xf32, #tpu.memory_space<vmem>>)
    %dma_wait3A_150 = arith.constant 2 : i32
    %dma_wait3A_151 = arith.constant 0 : i32
    %dma_wait3A_152 = arith.constant 0 : i32
    %dma_wait3A_153 = tpu.memref_slice %arg6[%dma_wait3A_150, %dma_wait3A_151, %dma_wait3A_152] : memref<6x128x64xf32, #tpu.memory_space<vmem>> -> memref<1x128x64xf32, #tpu.memory_space<vmem>>
    %dma_wait3A_154 = tpu.memref_squeeze %dma_wait3A_153 : memref<1x128x64xf32, #tpu.memory_space<vmem>> -> memref<128x64xf32, #tpu.memory_space<vmem>>
    %dma_wait3A_155 = arith.constant 0 : i32
    %dma_wait3A_156 = arith.constant 0 : i32
    %dma_wait3A_157 = tpu.memref_slice %arg2[%dma_wait3A_155, %dma_wait3A_156] : memref<100000x128xf32, #tpu.memory_space<hbm>> -> memref<128x64xf32, #tpu.memory_space<hbm>>
    %dma_wait3A_158 = arith.constant 0 : i32
    %dma_wait3A_159 = arith.constant 0 : i32
    %dma_wait3A_160 = tpu.memref_slice %arg6[%dma_wait3A_150, %dma_wait3A_158, %dma_wait3A_159] : memref<6x128x64xf32, #tpu.memory_space<vmem>> -> memref<1x128x64xf32, #tpu.memory_space<vmem>>
    %dma_wait3A_161 = tpu.memref_squeeze %dma_wait3A_160 : memref<1x128x64xf32, #tpu.memory_space<vmem>> -> memref<128x64xf32, #tpu.memory_space<vmem>>
    %dma_wait3A_162 = arith.constant 0 : i32
    %dma_wait3A_163 = arith.constant 0 : i32
    %dma_wait3A_164 = tpu.memref_slice %arg2[%dma_wait3A_162, %dma_wait3A_163] : memref<100000x128xf32, #tpu.memory_space<hbm>> -> memref<128x64xf32, #tpu.memory_space<hbm>>
    tpu.wait_dma2 semaphore(%arg16 : memref<!tpu.dma_semaphore, #tpu.memory_space<semaphore_mem>>) src(%dma_wait3A_164 : memref<128x64xf32, #tpu.memory_space<hbm>>) dst(%dma_wait3A_161 : memref<128x64xf32, #tpu.memory_space<vmem>>)
    %dma_wait3A_165 = arith.constant 3 : i32
    %dma_wait3A_166 = arith.constant 0 : i32
    %dma_wait3A_167 = arith.constant 0 : i32
    %dma_wait3A_168 = tpu.memref_slice %arg6[%dma_wait3A_165, %dma_wait3A_166, %dma_wait3A_167] : memref<6x128x64xf32, #tpu.memory_space<vmem>> -> memref<1x128x64xf32, #tpu.memory_space<vmem>>
    %dma_wait3A_169 = tpu.memref_squeeze %dma_wait3A_168 : memref<1x128x64xf32, #tpu.memory_space<vmem>> -> memref<128x64xf32, #tpu.memory_space<vmem>>
    %dma_wait3A_170 = arith.constant 0 : i32
    %dma_wait3A_171 = arith.constant 0 : i32
    %dma_wait3A_172 = tpu.memref_slice %arg2[%dma_wait3A_170, %dma_wait3A_171] : memref<100000x128xf32, #tpu.memory_space<hbm>> -> memref<128x64xf32, #tpu.memory_space<hbm>>
    %dma_wait3A_173 = arith.constant 0 : i32
    %dma_wait3A_174 = arith.constant 0 : i32
    %dma_wait3A_175 = tpu.memref_slice %arg6[%dma_wait3A_165, %dma_wait3A_173, %dma_wait3A_174] : memref<6x128x64xf32, #tpu.memory_space<vmem>> -> memref<1x128x64xf32, #tpu.memory_space<vmem>>
    %dma_wait3A_176 = tpu.memref_squeeze %dma_wait3A_175 : memref<1x128x64xf32, #tpu.memory_space<vmem>> -> memref<128x64xf32, #tpu.memory_space<vmem>>
    %dma_wait3A_177 = arith.constant 0 : i32
    %dma_wait3A_178 = arith.constant 0 : i32
    %dma_wait3A_179 = tpu.memref_slice %arg2[%dma_wait3A_177, %dma_wait3A_178] : memref<100000x128xf32, #tpu.memory_space<hbm>> -> memref<128x64xf32, #tpu.memory_space<hbm>>
    tpu.wait_dma2 semaphore(%arg17 : memref<!tpu.dma_semaphore, #tpu.memory_space<semaphore_mem>>) src(%dma_wait3A_179 : memref<128x64xf32, #tpu.memory_space<hbm>>) dst(%dma_wait3A_176 : memref<128x64xf32, #tpu.memory_space<vmem>>)
    %dma_wait3A_180 = arith.constant 4 : i32
    %dma_wait3A_181 = arith.constant 0 : i32
    %dma_wait3A_182 = arith.constant 0 : i32
    %dma_wait3A_183 = tpu.memref_slice %arg6[%dma_wait3A_180, %dma_wait3A_181, %dma_wait3A_182] : memref<6x128x64xf32, #tpu.memory_space<vmem>> -> memref<1x128x64xf32, #tpu.memory_space<vmem>>
    %dma_wait3A_184 = tpu.memref_squeeze %dma_wait3A_183 : memref<1x128x64xf32, #tpu.memory_space<vmem>> -> memref<128x64xf32, #tpu.memory_space<vmem>>
    %dma_wait3A_185 = arith.constant 0 : i32
    %dma_wait3A_186 = arith.constant 0 : i32
    %dma_wait3A_187 = tpu.memref_slice %arg2[%dma_wait3A_185, %dma_wait3A_186] : memref<100000x128xf32, #tpu.memory_space<hbm>> -> memref<128x64xf32, #tpu.memory_space<hbm>>
    %dma_wait3A_188 = arith.constant 0 : i32
    %dma_wait3A_189 = arith.constant 0 : i32
    %dma_wait3A_190 = tpu.memref_slice %arg6[%dma_wait3A_180, %dma_wait3A_188, %dma_wait3A_189] : memref<6x128x64xf32, #tpu.memory_space<vmem>> -> memref<1x128x64xf32, #tpu.memory_space<vmem>>
    %dma_wait3A_191 = tpu.memref_squeeze %dma_wait3A_190 : memref<1x128x64xf32, #tpu.memory_space<vmem>> -> memref<128x64xf32, #tpu.memory_space<vmem>>
    %dma_wait3A_192 = arith.constant 0 : i32
    %dma_wait3A_193 = arith.constant 0 : i32
    %dma_wait3A_194 = tpu.memref_slice %arg2[%dma_wait3A_192, %dma_wait3A_193] : memref<100000x128xf32, #tpu.memory_space<hbm>> -> memref<128x64xf32, #tpu.memory_space<hbm>>
    tpu.wait_dma2 semaphore(%arg18 : memref<!tpu.dma_semaphore, #tpu.memory_space<semaphore_mem>>) src(%dma_wait3A_194 : memref<128x64xf32, #tpu.memory_space<hbm>>) dst(%dma_wait3A_191 : memref<128x64xf32, #tpu.memory_space<vmem>>)
    %dma_wait3A_195 = arith.constant 5 : i32
    %dma_wait3A_196 = arith.constant 0 : i32
    %dma_wait3A_197 = arith.constant 0 : i32
    %dma_wait3A_198 = tpu.memref_slice %arg6[%dma_wait3A_195, %dma_wait3A_196, %dma_wait3A_197] : memref<6x128x64xf32, #tpu.memory_space<vmem>> -> memref<1x128x64xf32, #tpu.memory_space<vmem>>
    %dma_wait3A_199 = tpu.memref_squeeze %dma_wait3A_198 : memref<1x128x64xf32, #tpu.memory_space<vmem>> -> memref<128x64xf32, #tpu.memory_space<vmem>>
    %dma_wait3A_200 = arith.constant 0 : i32
    %dma_wait3A_201 = arith.constant 0 : i32
    %dma_wait3A_202 = tpu.memref_slice %arg2[%dma_wait3A_200, %dma_wait3A_201] : memref<100000x128xf32, #tpu.memory_space<hbm>> -> memref<128x64xf32, #tpu.memory_space<hbm>>
    %dma_wait3A_203 = arith.constant 0 : i32
    %dma_wait3A_204 = arith.constant 0 : i32
    %dma_wait3A_205 = tpu.memref_slice %arg6[%dma_wait3A_195, %dma_wait3A_203, %dma_wait3A_204] : memref<6x128x64xf32, #tpu.memory_space<vmem>> -> memref<1x128x64xf32, #tpu.memory_space<vmem>>
    %dma_wait3A_206 = tpu.memref_squeeze %dma_wait3A_205 : memref<1x128x64xf32, #tpu.memory_space<vmem>> -> memref<128x64xf32, #tpu.memory_space<vmem>>
    %dma_wait3A_207 = arith.constant 0 : i32
    %dma_wait3A_208 = arith.constant 0 : i32
    %dma_wait3A_209 = tpu.memref_slice %arg2[%dma_wait3A_207, %dma_wait3A_208] : memref<100000x128xf32, #tpu.memory_space<hbm>> -> memref<128x64xf32, #tpu.memory_space<hbm>>
    tpu.wait_dma2 semaphore(%arg19 : memref<!tpu.dma_semaphore, #tpu.memory_space<semaphore_mem>>) src(%dma_wait3A_209 : memref<128x64xf32, #tpu.memory_space<hbm>>) dst(%dma_wait3A_206 : memref<128x64xf32, #tpu.memory_space<vmem>>)
    %barrier3A_210 = arith.constant 0 : index
    tpu.barrier barrier_id(%barrier3A_210)
    %mul3A_211 = arith.constant 32 : i32
    %mul3A_212 = arith.muli %arg1, %mul3A_211 : i32
    "tpu.region"() ({
      %run_scoped3A = tpu.sem_alloc : memref<!tpu.dma_semaphore, #tpu.memory_space<semaphore_mem>>
      %dma_start3A_215 = arith.constant 0 : i32
      %dma_start3A_216 = tpu.memref_slice %arg20[%mul3A_212, %dma_start3A_215] : memref<512x64xf32, #tpu.memory_space<vmem_shared>> -> memref<32x64xf32, #tpu.memory_space<vmem_shared>>
      %dma_start3A_217 = arith.constant 0 : i32
      %dma_start3A_218 = tpu.memref_slice %arg20[%mul3A_212, %dma_start3A_217] : memref<512x64xf32, #tpu.memory_space<vmem_shared>> -> memref<32x64xf32, #tpu.memory_space<vmem_shared>>
      tpu.enqueue_dma source(%dma_start3A_218 : memref<32x64xf32, #tpu.memory_space<vmem_shared>>) target(%arg7 : memref<32x64xf32, #tpu.memory_space<vmem>>) target_semaphore(%run_scoped3A : memref<!tpu.dma_semaphore, #tpu.memory_space<semaphore_mem>>)
      %dma_wait3A_219 = arith.constant 0 : i32
      %dma_wait3A_220 = tpu.memref_slice %arg20[%mul3A_212, %dma_wait3A_219] : memref<512x64xf32, #tpu.memory_space<vmem_shared>> -> memref<32x64xf32, #tpu.memory_space<vmem_shared>>
      %dma_wait3A_221 = arith.constant 0 : i32
      %dma_wait3A_222 = tpu.memref_slice %arg20[%mul3A_212, %dma_wait3A_221] : memref<512x64xf32, #tpu.memory_space<vmem_shared>> -> memref<32x64xf32, #tpu.memory_space<vmem_shared>>
      tpu.wait_dma2 semaphore(%run_scoped3A : memref<!tpu.dma_semaphore, #tpu.memory_space<semaphore_mem>>) src(%dma_wait3A_222 : memref<32x64xf32, #tpu.memory_space<vmem_shared>>) dst(%arg7 : memref<32x64xf32, #tpu.memory_space<vmem>>)
      tpu.yield
    }) : () -> ()
    %mul3A_213 = arith.constant 32 : i32
    %mul3A_214 = arith.muli %arg1, %mul3A_213 : i32
    "tpu.region"() ({
      %run_scoped3A = tpu.sem_alloc : memref<!tpu.dma_semaphore, #tpu.memory_space<semaphore_mem>>
      %dma_start3A_215 = tpu.memref_slice %arg4[%mul3A_214, %mul3A_0] : memref<512x128xf32, #tpu.memory_space<hbm>> -> memref<32x64xf32, #tpu.memory_space<hbm>>
      %dma_start3A_216 = tpu.memref_slice %arg4[%mul3A_214, %mul3A_0] : memref<512x128xf32, #tpu.memory_space<hbm>> -> memref<32x64xf32, #tpu.memory_space<hbm>>
      tpu.enqueue_dma source(%arg7 : memref<32x64xf32, #tpu.memory_space<vmem>>) target(%dma_start3A_216 : memref<32x64xf32, #tpu.memory_space<hbm>>) target_semaphore(%run_scoped3A : memref<!tpu.dma_semaphore, #tpu.memory_space<semaphore_mem>>)
      %dma_wait3A_217 = tpu.memref_slice %arg4[%mul3A_214, %mul3A_0] : memref<512x128xf32, #tpu.memory_space<hbm>> -> memref<32x64xf32, #tpu.memory_space<hbm>>
      %dma_wait3A_218 = tpu.memref_slice %arg4[%mul3A_214, %mul3A_0] : memref<512x128xf32, #tpu.memory_space<hbm>> -> memref<32x64xf32, #tpu.memory_space<hbm>>
      tpu.wait_dma2 semaphore(%run_scoped3A : memref<!tpu.dma_semaphore, #tpu.memory_space<semaphore_mem>>) src(%arg7 : memref<32x64xf32, #tpu.memory_space<vmem>>) dst(%dma_wait3A_218 : memref<32x64xf32, #tpu.memory_space<hbm>>)
      tpu.yield
    }) : () -> ()
    return
  }
}

module attributes {stable_mosaic.version = 14 : i64} {
  func.func @_tc_body(%arg0: i32, %arg1: memref<1x1x512xi32, #tpu.memory_space<vmem>>, %arg2: memref<512x128xf32, #tpu.memory_space<vmem>>, %arg3: memref<512x128xf32, #tpu.memory_space<vmem>>) attributes {dimension_semantics = [#tpu.dimension_semantics<arbitrary>], iteration_bounds = array<i64: 36>, scalar_prefetch = 0 : i64, scratch_operands = 0 : i64, tpu.core_type = #tpu.core_type<tc>, window_params = [{transform_indices = @transform_0, window_bounds = array<i64: 1, 1, 512>}, {transform_indices = @transform_1, window_bounds = array<i64: 512, 128>}, {pipeline_mode = #tpu.pipeline_mode<synchronous>, transform_indices = @transform_2, window_bounds = array<i64: 512, 128>}]} {
    %get3A = arith.constant 0 : index
    %get3A_0 = arith.constant 0 : index
    %get3A_1 = arith.constant 0 : index
    %get3A_2 = vector.load %arg1[%get3A, %get3A_0, %get3A_1] : memref<1x1x512xi32, #tpu.memory_space<vmem>>, vector<1x1x512xi32>
    %get3A_3 = vector.shape_cast %get3A_2 : vector<1x1x512xi32> to vector<512xi32>
    %add3A = arith.constant 160 : i32
    %add3A_4 = arith.addi %add3A, %arg0 : i32
    %mul3A = arith.constant 512 : i32
    %mul3A_5 = arith.muli %add3A_4, %mul3A : i32
    %iota3A = tpu.iota {dimensions = array<i32: 0>} : vector<512x1xi32>
    %add3A_6 = vector.broadcast %mul3A_5 : i32 to vector<512x1xi32>
    %add3A_7 = arith.addi %add3A_6, %iota3A : vector<512x1xi32>
    %lt3A = arith.constant 100000 : i32
    %lt3A_8 = vector.broadcast %lt3A : i32 to vector<512x1xi32>
    %lt3A_9 = arith.cmpi slt, %add3A_7, %lt3A_8 : vector<512x1xi32>
    %get3A_10 = arith.constant 0 : index
    %get3A_11 = arith.constant 0 : index
    %get3A_12 = vector.load %arg2[%get3A_10, %get3A_11] : memref<512x128xf32, #tpu.memory_space<vmem>>, vector<512x128xf32>
    %jit3A = arith.constant 0.000000e+00 : f32
    %broadcast_in_dim3A = vector.shape_cast %lt3A_9 : vector<512x1xi1> to vector<512x1xi1>
    %broadcast_in_dim3A_13 = vector.broadcast %broadcast_in_dim3A : vector<512x1xi1> to vector<512x128xi1>
    %broadcast_in_dim3A_14 = vector.broadcast %jit3A : f32 to vector<512x128xf32>
    %select_n3A = arith.select %broadcast_in_dim3A_13, %get3A_12, %broadcast_in_dim3A_14 : vector<512x128xi1>, vector<512x128xf32>
    %iota3A_15 = tpu.iota {dimensions = array<i32: 0>} : vector<512x512xi32>
    %broadcast_in_dim3A_16 = vector.shape_cast %get3A_3 : vector<512xi32> to vector<1x512xi32>
    %eq3A = vector.broadcast %broadcast_in_dim3A_16 : vector<1x512xi32> to vector<512x512xi32>
    %eq3A_17 = arith.cmpi eq, %iota3A_15, %eq3A : vector<512x512xi32>
    %convert_element_type3A = arith.extui %eq3A_17 : vector<512x512xi1> to vector<512x512xi32>
    %convert_element_type3A_18 = arith.sitofp %convert_element_type3A : vector<512x512xi32> to vector<512x512xf32>
    %convert_element_type3A_19 = arith.truncf %convert_element_type3A_18 : vector<512x512xf32> to vector<512x512xbf16>
    %convert_element_type3A_20 = arith.truncf %select_n3A : vector<512x128xf32> to vector<512x128xbf16>
    %dot_general3A = arith.constant dense<0.000000e+00> : vector<512x128xf32>
    %dot_general3A_21 = tpu.matmul %convert_element_type3A_19, %convert_element_type3A_20, %dot_general3A {dimension_numbers = #tpu.dot_dimension_numbers<[1], [0], [0], [1], [0, 0, 1, 1], [], []>, transpose_lhs_hint = false} : vector<512x512xbf16>, vector<512x128xbf16>, vector<512x128xf32> -> vector<512x128xf32>
    %eq3A_22 = arith.constant 0 : i32
    %eq3A_23 = arith.cmpi eq, %arg0, %eq3A_22 : i32
    %convert_element_type3A_24 = arith.extui %eq3A_23 : i1 to i32
    %cond3A = arith.constant 0 : i32
    %cond3A_25 = arith.cmpi ne, %convert_element_type3A_24, %cond3A : i32
    scf.if %cond3A_25 {
      %swap3A = arith.constant 0 : index
      %swap3A_30 = arith.constant 0 : index
      %swap3A_31 = vector.load %arg3[%swap3A, %swap3A_30] : memref<512x128xf32, #tpu.memory_space<vmem>>, vector<512x128xf32>
      tpu.vector_store %arg3[%swap3A, %swap3A_30], %dot_general3A_21 {strides = array<i32>} : memref<512x128xf32, #tpu.memory_space<vmem>>, vector<512x128xf32>,
    } else {
    }
    %gt3A = arith.constant 0 : i32
    %gt3A_26 = arith.cmpi sgt, %arg0, %gt3A : i32
    %convert_element_type3A_27 = arith.extui %gt3A_26 : i1 to i32
    %cond3A_28 = arith.constant 0 : i32
    %cond3A_29 = arith.cmpi ne, %convert_element_type3A_27, %cond3A_28 : i32
    scf.if %cond3A_29 {
      %get3A_30 = arith.constant 0 : index
      %get3A_31 = arith.constant 0 : index
      %get3A_32 = vector.load %arg3[%get3A_30, %get3A_31] : memref<512x128xf32, #tpu.memory_space<vmem>>, vector<512x128xf32>
      %add3A_33 = arith.addf %get3A_32, %dot_general3A_21 : vector<512x128xf32>
      %swap3A = arith.constant 0 : index
      %swap3A_34 = arith.constant 0 : index
      %swap3A_35 = vector.load %arg3[%swap3A, %swap3A_34] : memref<512x128xf32, #tpu.memory_space<vmem>>, vector<512x128xf32>
      tpu.vector_store %arg3[%swap3A, %swap3A_34], %add3A_33 {strides = array<i32>} : memref<512x128xf32, #tpu.memory_space<vmem>>, vector<512x128xf32>,
    } else {
    }
    return
  }
  func.func @transform_0(%arg0: i32) -> (i32, i32, i32) {
    %c0_i32 = arith.constant 0 : i32
    %c0_i32_0 = arith.constant 0 : i32
    %c0_i32_1 = arith.constant 0 : i32
    return %arg0, %c0_i32, %c0_i32_0 : i32, i32, i32
  }
  func.func @transform_1(%arg0: i32) -> (i32, i32) {
    %add3A = arith.constant 160 : i32
    %add3A_0 = arith.addi %add3A, %arg0 : i32
    %c0_i32 = arith.constant 0 : i32
    %c0_i32_1 = arith.constant 0 : i32
    return %add3A_0, %c0_i32 : i32, i32
  }
  func.func @transform_2(%arg0: i32) -> (i32, i32) {
    %c0_i32 = arith.constant 0 : i32
    %c0_i32_0 = arith.constant 0 : i32
    %c0_i32_1 = arith.constant 0 : i32
    return %c0_i32, %c0_i32_0 : i32, i32
  }
}

module attributes {stable_mosaic.version = 14 : i64} {
  func.func @_add_body(%arg0: memref<512x128xf32, #tpu.memory_space<vmem>>, %arg1: memref<512x128xf32, #tpu.memory_space<vmem>>, %arg2: memref<512x128xf32, #tpu.memory_space<vmem>>) attributes {dimension_semantics = [], scalar_prefetch = 0 : i64, scratch_operands = 0 : i64, tpu.core_type = #tpu.core_type<tc>} {
    %get3A = arith.constant 0 : index
    %get3A_0 = arith.constant 0 : index
    %get3A_1 = vector.load %arg0[%get3A, %get3A_0] : memref<512x128xf32, #tpu.memory_space<vmem>>, vector<512x128xf32>
    %get3A_2 = arith.constant 0 : index
    %get3A_3 = arith.constant 0 : index
    %get3A_4 = vector.load %arg1[%get3A_2, %get3A_3] : memref<512x128xf32, #tpu.memory_space<vmem>>, vector<512x128xf32>
    %add3A = arith.addf %get3A_1, %get3A_4 : vector<512x128xf32>
    %swap3A = arith.constant 0 : index
    %swap3A_5 = arith.constant 0 : index
    %swap3A_6 = vector.load %arg2[%swap3A, %swap3A_5] : memref<512x128xf32, #tpu.memory_space<vmem>>, vector<512x128xf32>
    tpu.vector_store %arg2[%swap3A, %swap3A_5], %add3A {strides = array<i32>} : memref<512x128xf32, #tpu.memory_space<vmem>>, vector<512x128xf32>,
    return
  }
}

</mosaic_0001>

<sc_bundles>
// kernel: _run.5.cloned.1.call-start
scs
__scs_entry_jumppad:
0x0: {  	(pc) =	sbr.rel $0x88, $3  }
0x1: {  	(tag) =	ssettag $0x0;
	lr =	simm.s32 $0x1  }
0x2: {  	[smem:$0x3F9F] =	sst lr;
	_ =	strace $0xD0000000  }
0x3: {  	_ = 	snop  }
0x4: {  	_ = 	snop  }
0x5: {  	_ = 	snop  }
0x6: {  	_ = 	snop  }
0x7: {  	_ = 	snop  }
__scs_overlays_trampoline_lowered:
0x8: {  	[smem:$0x3FAE] =	sst s0  }
0x9: {  	[smem:$0x3FAF] =	sst s1  }
0xa: {  	[smem:$0x3FB0] =	sst s2  }
0xb: {  	[smem:$0x3FB1] =	sst s3  }
0xc: {  	[smem:$0x3FB2] =	sst s4  }
0xd: {  	[smem:$0x3FB3] =	sst s5  }
0xe: {  	[smem:$0x3FB4] =	sst s6  }
0xf: {  	[smem:$0x3FB5] =	sst s7  }
0x10: {  	[smem:$0x3FB6] =	sst s8  }
0x11: {  	[smem:$0x3FB7] =	sst s9;
	s0 =	simm.s32 @!p0 $0x0  }
0x12: {  	s1 =	sld [smem:$0x3F9D];
	s0 =	simm.s32 @p0 $0x1  }
0x13: {  	[smem:$0x3FB8] =	sst s0;
	s0 =	simm.s32 @!p1 $0x0  }
0x14: {  	s2 =	sld [smem:$0x3F9C];
	s0 =	simm.s32 @p1 $0x1  }
0x15: {  	[smem:$0x3FB9] =	sst s0;
	s0 =	simm.s32 @!p2 $0x0  }
0x16: {  	s3 =	sld [smem:$0x3FDB];
	s0 =	simm.s32 @p2 $0x1  }
0x17: {  	s4 =	simm.s32 $0x1BF5;
	[smem:$0x3FBB] =	sst s0  }
0x18: {  	s0 =	sld [smem:$0x3F9E];
	_ =	swait.ge [sflag:s4], $0x0  }
0x19: {  	s7 =	sld [smem:$0x3F9F]  }
0x1a: {  	s8 =	sadd.s32 $0xFFFFE003, lr  }
0x1b: {  	s9 =	sadd.s32 $0xFFFFFEF7, lr;
	s5 =	simm.s32 $0xFFFFFFFF;
	p2 =	slt.u32 s8, $0xFFFFF086  }
0x1c: {  	p1 =	slt.u32 s9, $0xF7A;
	s5 =	simm.s32 @!p2 $0x0  }
0x1d: {  	s5 =	simm.s32 @p1 $0x1;
	p0 =	seq.s32 s7, s2  }
0x1e: {  	s7 =	smul.u32 @!p0 $0xF7A, s2;
	p2 =	seq.s32 @!p0 s5, $0x0  }
0x1f: {  	s9 =	smul.u32 $0xF7A, s1;
	s8 =	simm.s32 @!p0 $0x1BF5;
	p2 =	por !p2, p0  }
0x20: {  	[sflag:s8] =	ssyncset.s32 @!p0 $0xFFFFF086;
	s6 =	sadd.s32 @!p0 s3, s7;
	s7 =	simm.s32 @!p0 $0x108  }
0x21: {  	s3 =	sadd.s32 s3, s9;
	s6 =	sadd.s32 @!p0 $0x88, s6;
	s7 =	simm.s32 @p2 $0x1082  }
0x22: {  	[simem:s7], [sflag:s8] =	dma.local @!p0 [hbm:s6], $0xF7A  }
0x23: {  	s9 =	sor.u32 $0xD0000000, s2;
	s6 =	simm.s32 $0x108;
	_ =	swait.ge @!p0 [sflag:s8], $0x0  }
0x24: {  	s3 =	sadd.s32 $0x88, s3;
	s6 =	simm.s32 @!p1 $0x1082;
	[sflag:s4] =	ssyncset.s32 $0xFFFFF086  }
0x25: {  	[simem:s6], [sflag:s4] =	dma.local [hbm:s3], $0xF7A  }
0x26: {  	[smem:$0x3F9F] =	sst s1;
	(tag) =	ssettag s2;
	_ =	strace s9  }
0x27: {  	s1 =	sld [smem:$0x3FAF]  }
0x28: {  	s2 =	sld [smem:$0x3FB0]  }
0x29: {  	s4 =	sld [smem:$0x3FB2]  }
0x2a: {  	p0 =	seq.s32 s5, $0x0;
	s5 =	sld [smem:$0x3FB3]  }
0x2b: {  	s6 =	sld [smem:$0x3FB4]  }
0x2c: {  	s7 =	sld [smem:$0x3FB5]  }
0x2d: {  	s3 =	simm.s32 $0x108;
	s8 =	sld [smem:$0x3FB6]  }
0x2e: {  	s3 =	simm.s32 @!p0 $0x1082;
	s9 =	sld [smem:$0x3FB7]  }
0x2f: {  	lr =	sadd.s32 s0, s3;
	s0 =	sld [smem:$0x3FAE]  }
0x30: {  	s3 =	sld [smem:$0x3FB1]  }
0x31: {  	[smem:$0x3FBA] =	sst s10  }
0x32: {  	s10 =	sld [smem:$0x3FB8];
	_ =	sdelay $0x3  }
0x33: {  	p0 =	seq.s32 s10, $0x1;
	s10 =	sld [smem:$0x3FBA];
	_ =	sdelay $0x3  }
0x34: {  	[smem:$0x3FBA] =	sst s10  }
0x35: {  	s10 =	sld [smem:$0x3FB9];
	_ =	sdelay $0x3  }
0x36: {  	p1 =	seq.s32 s10, $0x1;
	s10 =	sld [smem:$0x3FBA];
	_ =	sdelay $0x3  }
0x37: {  	[smem:$0x3FBA] =	sst s10  }
0x38: {  	s10 =	sld [smem:$0x3FBB]  }
0x39: {  	_ = 	snop;
	(pc) =	sbr.ind lr, $3  }
0x3a: {  	_ = 	snop  }
0x3b: {  	_ = 	snop  }
0x3c: {  	p2 =	seq.s32 s10, $0x1;
	s10 =	sld [smem:$0x3FBA]  }
0x3d: {  	_ =	shalt  }
0x3e: {  	_ =	shalt  }
0x3f: {  	_ =	shalt  }
0x40: {  	_ =	shalt  }
0x41: {  	_ =	shalt  }
0x42: {  	_ =	shalt  }
0x43: {  	_ =	shalt  }
0x44: {  	_ =	shalt  }
0x45: {  	_ =	shalt  }
0x46: {  	_ =	shalt  }
0x47: {  	_ =	shalt  }
0x48: {  	_ =	shalt  }
0x49: {  	_ =	shalt  }
0x4a: {  	_ =	shalt  }
0x4b: {  	_ =	shalt  }
0x4c: {  	_ =	shalt  }
0x4d: {  	_ =	shalt  }
0x4e: {  	_ =	shalt  }
0x4f: {  	_ =	shalt  }
0x50: {  	_ =	shalt  }
0x51: {  	_ =	shalt  }
0x52: {  	_ =	shalt  }
0x53: {  	_ =	shalt  }
0x54: {  	_ =	shalt  }
0x55: {  	_ =	shalt  }
0x56: {  	_ =	shalt  }
0x57: {  	_ =	shalt  }
0x58: {  	_ =	shalt  }
0x59: {  	_ =	shalt  }
0x5a: {  	_ =	shalt  }
0x5b: {  	_ =	shalt  }
0x5c: {  	_ =	shalt  }
0x5d: {  	_ =	shalt  }
0x5e: {  	_ =	shalt  }
0x5f: {  	_ =	shalt  }
0x60: {  	_ =	shalt  }
0x61: {  	_ =	shalt  }
0x62: {  	_ =	shalt  }
0x63: {  	_ =	shalt  }
0x64: {  	_ =	shalt  }
0x65: {  	_ =	shalt  }
0x66: {  	_ =	shalt  }
0x67: {  	_ =	shalt  }
0x68: {  	_ =	shalt  }
0x69: {  	_ =	shalt  }
0x6a: {  	_ =	shalt  }
0x6b: {  	_ =	shalt  }
0x6c: {  	_ =	shalt  }
0x6d: {  	_ =	shalt  }
0x6e: {  	_ =	shalt  }
0x6f: {  	_ =	shalt  }
0x70: {  	_ =	shalt  }
0x71: {  	_ =	shalt  }
0x72: {  	_ =	shalt  }
0x73: {  	_ =	shalt  }
0x74: {  	_ =	shalt  }
0x75: {  	_ =	shalt  }
0x76: {  	_ =	shalt  }
0x77: {  	_ =	shalt  }
0x78: {  	_ =	shalt  }
0x79: {  	_ =	shalt  }
0x7a: {  	_ =	shalt  }
0x7b: {  	_ =	shalt  }
0x7c: {  	_ =	shalt  }
0x7d: {  	_ =	shalt  }
0x7e: {  	_ =	shalt  }
0x7f: {  	_ =	shalt  }
0x80: {  	_ =	shalt  }
0x81: {  	_ =	shalt  }
0x82: {  	_ =	shalt  }
0x83: {  	_ =	shalt  }
0x84: {  	_ =	shalt  }
0x85: {  	_ =	shalt  }
0x86: {  	_ =	shalt  }
0x87: {  	_ =	shalt  }
.Lfunc_end0:
.L_simem_size_0:
called_computation_lowered:
.L_overlay_start_0:
0x88: {  	s2 =	sld [smem:$0x3FD9]  }
0x89: {  	s3 =	sld [smem:$0x3FFE];
	_ =	sdelay $0x1  }
0x8a: {  	s1 =	srdreg.scid  }
0x8b: {  	s0 =	sand.u32 $0x1, s1  }
0x8c: {  	s18 =	sshll.u32 s0, $0xA;
	s2 =	sadd.s32 s3, s2  }
0x8d: {  	s2 =	sadd.s32 s2, s18  }
0x8e: {  	[smem:$0x3FC6] =	sst s2  }
0x8f: {  	_ = 	snop  }
0x90: {  	s2 =	sld [smem:$0x3FC9]  }
0x91: {  	s19 =	sld [smem:$0x3FC8]  }
0x92: {  	s4 =	sld [smem:$0x3FD0];
	(tm) =	ssettm $0x1  }
0x93: {  	s5 =	sld [smem:$0x3FFB];
	_ =	sdelay $0x3  }
0x94: {  	_ =	strace s5  }
0x95: {  	s5 =	sld [smem:$0x3FFC];
	_ =	sdelay $0x3  }
0x96: {  	_ =	strace s5  }
0x97: {  	s5 =	sld [smem:$0x3FFD];
	_ =	sdelay $0x3  }
0x98: {  	_ =	strace s5  }
0x99: {  	_ =	strace $0x8FFFFFFF  }
0x9a: {  	s20 =	sld [smem:$0x3FDB];
	_ =	sdelay $0x1  }
0x9b: {  	s6 =	simm.s32 $_scs_section_size  }
0x9c: {  	s7 =	simm.s32 $_size__tile_overlayer_lowered;
	s8 =	simm.s32 $_tile_overlayer_lowered  }
0x9d: {  	s23 =	simm.s32 $0x1BFF;
	s22 =	sshll.u32 s8, $0x1;
	s5 =	sadd.s32 s6, s20  }
0x9e: {  	s9 =	simm.s32 $0x0;
	s21 =	sshll.u32 s7, $0x1;
	s7 =	sadd.s32 s22, s5  }
0x9f: {  	[timem:s9], [sflag:s23] =	dma.local [hbm:s7], s21  }
0xa0: {  	_ =	swait.ge [sflag:s23], s21  }
0xa1: {  	s6 =	ssub.s32 $0x0, s21;
	[sflag:s23] =	ssyncset.done $0x0  }
0xa2: {  	[sflag:s23] =	ssyncadd.s32 s6;
	_ =	sdelay $0x1  }
0xa3: {  	s24 =	simm.s32 $0x1B8B  }
0xa4: {  	_ =	swait.ge [sflag:s24], $0x1  }
0xa5: {  	[sflag:s24] =	ssyncset.done $0x0  }
0xa6: {  	s25 =	simm.s32 $0x1B8E;
	[sflag:s24] =	ssyncadd.s32 $0xFFFFFFFF  }
0xa7: {  	s26 =	simm.s32 $execute0_lowered;
	[smem:$0x3FD2] =	sst s25  }
0xa8: {  	s6 =	sshll.u32 s26, $0x1;
	_ =	strace $0x80000046;
	[dreg:$0x1] =	wrdreg $0xFFFFFFFF  }
0xa9: {  	s28 =	simm.s32 $_size_execute0_lowered;
	s5 =	sadd.s32 s5, s6;
	[dreg:$0x0] =	wrdreg $0x0  }
0xaa: {  	s6 =	sshll.u32 s28, $0x1;
	[dreg:$0x2] =	wrdreg s5  }
0xab: {  	[dreg:$0x3] =	wrdreg s6  }
0xac: {  	[dreg:$0x4] =	wrdreg $0xC0  }
0xad: {  	_ =	task [dreg:s9], $0x5FFFF  }
0xae: {  	[dreg:$0x1] =	wrdreg $0xFFFFFFFF  }
0xaf: {  	[dreg:$0x0] =	wrdreg $0x60  }
0xb0: {  	[dreg:$0x2] =	wrdreg s2  }
0xb1: {  	[dreg:$0x3] =	wrdreg s19  }
0xb2: {  	[dreg:$0x4] =	wrdreg s4  }
0xb3: {  	[dreg:$0x5] =	wrdreg $0xCB000  }
0xb4: {  	[dreg:$0x6] =	wrdreg $0x9  }
0xb5: {  	_ =	task.clear_ibuf [dreg:s9], $0x7FFFF;
	_ =	strace $0x90000046  }
0xb6: {  	s29 =	simm.s32 $0x9;
	_ =	strace $0x80000048  }
0xb7: {  	_ =	swait.ge [sflag:s29], $0x1  }
0xb8: {  	[sflag:s29] =	ssyncadd.s32 $0xFFFFFFFF  }
0xb9: {  	_ =	strace $0x90000048  }
0xba: {  	_ =	sfence  }
0xbb: {  	s30 =	sld [smem:$0x0];
	_ =	sdelay $0x2  }
0xbc: {  	s31 =	sshll.u32 s1, $0xD;
	s1 =	sshrl.u32 s1, $0x2  }
0xbd: {  	s3 =	sand.u32 $0x4000, s31;
	s1 =	sadd.s32 s1, s30  }
0xbe: {  	s0 =	sor.u32 s3, s0;
	s1 =	sshll.u32 s1, $0x11  }
0xbf: {  	s0 =	sor.u32 s1, s0  }
0xc0: {  	s0 =	sadd.s32 $0x8F2B, s0  }
0xc1: {  	[sflag:s0] =	ssyncadd.remote.s32 $0x1  }
0xc2: {  	_ =	sfence.sel $0xFFFF  }
0xc3: {  	[dreg:$0x0] =	wrdreg $0xFFFFFFFF;
	(pc) =	sbr.abs _section_cstart, $3  }
0xc4: {  	[dreg:$0x1] =	wrdreg $0xFFFFFFFF  }
0xc5: {  	_ =	task.clear_ibuf [dreg:s9], $0x2FFFF;
	_ =	strace $0x9FFFFFFF  }
0xc6: {  	(tm) =	ssettm $0x7FFFFFFF  }
0xc7: {  	_ =	shalt  }
tec
execute0_lowered:
.L_overlay_start_1:
0x0: {  	(tag) =	ssettag $0x1  }
0x1: {  	s1 =	rddreg [dreg:$0x0]  }
0x2: {  	s0 =	rddreg [dreg:$0x1]  }
0x3: {  	s5 =	srdreg.scid;
	s4 =	stileid.u32  }
0x4: {  	s2 =	rddreg [dreg:$0x2];
	s6 =	sand.u32 $0x1, s5;
	s5 =	smul.u32 $0x28, s4  }
0x5: {  	s3 =	rddreg [dreg:$0x3];
	s16 =	simm.s32 $0x0;
	s8 =	smul.u32 $0x280, s4  }
0x6: {  	[smem:$0x7FF] =	sst s16;
	s10 =	sshll.u32 s4, $0xB;
	s11 =	smul.u32 $0x1400, s4  }
0x7: {  	s23 =	smul.u32 $0xA0000, s4;
	s31 =	sshll.u32 s4, $0xC;
	s4 =	simm.s32 $0xC300  }
0x8: {  	_ =	strace $0x80000047;
	s7 =	ssub.s32 $0x2, s6;
	s17 =	sadd.s32 s10, s3  }
0x9: {  	s6 =	sshll.u32 s6, $0x6;
	s9 =	sshrl.u32 s7, $0x1;
	s24 =	sshrl.u32 s8, $0x4  }
0xa: {  	s12 =	sor.u32 $0x80, s11;
	s10 =	sor.u32 s6, s23;
	s15 =	sor.u32 $0x100, s11  }
0xb: {  	s18 =	sadd.s32 s0, s8;
	s11 =	sor.u32 $0x180, s11;
	[dreg:$0x6] =	wrdreg s17  }
0xc: {  	s9 =	ssub.s32 s7, s9;
	s7 =	sadd.s32 $0x28, s24;
	s13 =	sshll.u32 s12, $0x7  }
0xd: {  	s14 =	sshrl.u32 s10, $0x3;
	s25 =	sshll.u32 s15, $0x7;
	s12 =	sshrl.u32 s12, $0x3  }
0xe: {  	s29 =	sshll.u32 s11, $0x7;
	s30 =	sshrl.u32 s15, $0x3;
	s15 =	sshrl.u32 s11, $0x3  }
0xf: {  	s20 =	sor.u32 $0x10000, s10;
	[dreg:$0x8] =	wrdreg s18;
	s23 =	sadd.s32 $0x90, s18  }
0x10: {  	s22 =	sadd.s32 $0x24000, s10;
	s14 =	sadd.s32 s1, s14;
	[dreg:$0x12] =	wrdreg s23  }
0x11: {  	s13 =	sor.u32 s6, s13;
	s12 =	sadd.s32 s0, s12;
	[dreg:$0x7] =	wrdreg s14  }
0x12: {  	s28 =	sor.u32 s6, s25;
	s21 =	smax.u32 s9, $0x1;
	[dreg:$0xa] =	wrdreg s12  }
0x13: {  	s24 =	sshrl.u32 s22, $0x3;
	s12 =	sadd.s32 s0, s30;
	[dreg:$0x10] =	wrdreg s21  }
0x14: {  	s13 =	sshrl.u32 s13, $0x3;
	s0 =	sadd.s32 s0, s15;
	[dreg:$0xc] =	wrdreg s12  }
0x15: {  	s8 =	sshrl.u32 s28, $0x3;
	s26 =	sadd.s32 s1, s13;
	[dreg:$0xe] =	wrdreg s0  }
0x16: {  	s25 =	sadd.s32 $0x20000, s10;
	s8 =	sadd.s32 s1, s8;
	[dreg:$0x9] =	wrdreg s26  }
0x17: {  	s28 =	sor.u32 $0x14000, s10;
	s0 =	sshrl.u32 s20, $0x3;
	[dreg:$0xb] =	wrdreg s8  }
0x18: {  	s8 =	sor.u32 s6, s29;
	s6 =	sor.u32 s6, s31;
	s0 =	sadd.s32 s0, s1  }
0x19: {  	s26 =	sor.u32 $0x1C000, s10;
	s31 =	sor.u32 $0x18000, s10;
	[dreg:$0x11] =	wrdreg s0  }
0x1a: {  	s8 =	sshrl.u32 s8, $0x3;
	s0 =	sadd.s32 s24, s1;
	[dreg:$0x16] =	wrdreg s31  }
0x1b: {  	s6 =	sshrl.u32 s6, $0x3;
	s14 =	sadd.s32 s1, s8;
	[dreg:$0x13] =	wrdreg s0  }
0x1c: {  	s19 =	sadd.s32 s2, s6;
	s0 =	sshrl.u32 s25, $0x3;
	[dreg:$0xd] =	wrdreg s14  }
0x1d: {  	s2 =	sshrl.u32 s26, $0x3;
	[dreg:$0xf] =	wrdreg s19;
	s0 =	sadd.s32 s0, s1  }
0x1e: {  	s30 =	sshrl.u32 s28, $0x3;
	s29 =	sadd.s32 s2, s1;
	[dreg:$0x14] =	wrdreg s0  }
0x1f: {  	s9 =	simm.s32 $0x40;
	[dreg:$0x15] =	wrdreg s29;
	s0 =	sadd.s32 s30, s1  }
0x20: {  	v0 =	vimm.f32 $0.0e+00;
	s10 =	simm.s32 $0x80;
	s6 =	simm.s32 $0xD;
	[dreg:$0x17] =	wrdreg s0  }
.LBB2_1:
0x21: {  	[dreg:$0x5] =	wrdreg s16;
	s2 =	simm.s32 $0x100;
	s0 =	simm.s32 $0x0  }
.LBB2_2:
0x22: {  	p0 =	sne.s32 s2, $0x1F00;
	[tilespmem:s0+$0xC330] =	vst v0;
	s8 =	smov.u32 s2;
	s2 =	sadd.s32 $0x100, s2  }
.Ltmp0:
0x23: {  	[tilespmem:s0+$0xC320] =	vst v0;
	(pc) =	sbr.rel @p0 .LBB2_2-.Ltmp0, $3  }
0x24: {  	[tilespmem:s0+$0xC300] =	vst v0  }
0x25: {  	[tilespmem:s0+$0xC310] =	vst v0;
	_ =	sdelay $0x1  }
0x26: {  	s0 =	sshra.s32 s8, $0x2  }
0x27: {  	[tilespmem:s0+$0xC330] =	vst v0  }
0x28: {  	[tilespmem:s0+$0xC320] =	vst v0  }
0x29: {  	[tilespmem:s0+$0xC300] =	vst v0  }
0x2a: {  	[tilespmem:s0+$0xC310] =	vst v0  }
0x2b: {  	[spmem:s17] =	stream.linear.scatter [tilespmem:s4], [sflag:$0xD], $0x800, $0x38;
	[tilespmem:$0xD300] =	vst v63  }
0x2c: {  	_ =	swait.ge [sflag:s6], $0x800  }
0x2d: {  	[sflag:s6] =	ssyncset.done $0x0  }
0x2e: {  	[sflag:s6] =	ssyncadd.s32 $0xFFFFF800  }
0x2f: {  	[bflag:$0x0] =	sbarrier.arrive $0xFFFF  }
0x30: {  	s2 =	simm.s32 $0x300;
	s8 =	rddreg [dreg:$0x7]  }
0x31: {  	s25 =	simm.s32 $0x0;
	s13 =	simm.s32 $0x2300;
	s11 =	rddreg [dreg:$0x8]  }
0x32: {  	[tilespmem:s2], [sflag:$0x1] =	stream.strided.gather [hbm4b:s8+s9], $0x2000, s10, s9, $0x38;
	[tilespmem:$0xD300] =	vst v63  }
0x33: {  	s16 =	simm.s32 $0x4300;
	s18 =	simm.s32 $0x100;
	s12 =	rddreg [dreg:$0x9]  }
0x34: {  	[tilespmem:s25], [sflag:$0x1] =	stream.linear.gather [hbm4b:s11+s25], $0x80, $0x38;
	[tilespmem:$0xD300] =	vst v63  }
0x35: {  	s20 =	simm.s32 $0x6300;
	s22 =	simm.s32 $0x180;
	s14 =	rddreg [dreg:$0xa]  }
0x36: {  	[tilespmem:s13], [sflag:$0x2] =	stream.strided.gather [hbm4b:s12+s9], $0x2000, s10, s9, $0x38;
	[tilespmem:$0xD300] =	vst v63  }
0x37: {  	s23 =	sadd.s32 $0x0, s5;
	s30 =	simm.s32 $0xC;
	s15 =	rddreg [dreg:$0xb]  }
0x38: {  	[tilespmem:s10], [sflag:$0x2] =	stream.linear.gather [hbm4b:s14+s25], $0x80, $0x38;
	[tilespmem:$0xD300] =	vst v63  }
0x39: {  	s24 =	sadd.s32 $0x4, s23;
	p2 =	sge.u32 s23, s7;
	s17 =	rddreg [dreg:$0xc]  }
0x3a: {  	[tilespmem:s16], [sflag:$0x3] =	stream.strided.gather [hbm4b:s15+s9], $0x2000, s10, s9, $0x38;
	[tilespmem:$0xD300] =	vst v63  }
0x3b: {  	s26 =	sadd.s32 $0x3, s23;
	s19 =	rddreg [dreg:$0xd];
	s8 =	sadd.s32 $0x1, s23  }
0x3c: {  	[tilespmem:s18], [sflag:$0x3] =	stream.linear.gather [hbm4b:s17+s25], $0x80, $0x38;
	[tilespmem:$0xD300] =	vst v63  }
0x3d: {  	s21 =	rddreg [dreg:$0xe];
	s2 =	sadd.s32 $0x2, s23;
	p1 =	sge.u32 s8, s7  }
0x3e: {  	[tilespmem:s20], [sflag:$0x4] =	stream.strided.gather [hbm4b:s19+s9], $0x2000, s10, s9, $0x38;
	[tilespmem:$0xD300] =	vst v63  }
0x3f: {  	s8 =	sadd.s32 @!p1 $0x0, s5;
	s12 =	simm.s32 $0x6;
	s9 =	sadd.s32 @!p2 $0x0, s5  }
0x40: {  	s14 =	sadd.s32 @!p1 $0x5, s8;
	s8 =	simm.s32 @!p2 $0x300;
	s9 =	sadd.s32 @!p2 $0x4, s9  }
0x41: {  	[tilespmem:s22], [sflag:$0x4] =	stream.linear.gather [hbm4b:s21+s25], $0x80, $0x38;
	[tilespmem:$0xD300] =	vst v63  }
0x42: {  	s16 =	sadd.s32 $0x6, s5;
	p3 =	sge.u32 @!p2 s9, s7;
	s9 =	simm.s32 @!p2 $0x1  }
0x43: {  	s13 =	sadd.s32 $0x4, s16;
	s11 =	sadd.s32 $0x5, s16;
	_ =	swait.ge @!p2 [sflag:s9], $0x2000  }
0x44: {  	s17 =	simm.s32 @!p2 $0x0;
	p0 =	por p3, p2;
	[sflag:s9] =	ssyncset.done @!p2 $0x0  }
0x45: {  	s10 =	sadd.s32 $0x5, s23;
	p4 =	por @!p0 $0x1, $0x1;
	[sflag:s9] =	ssyncadd.s32 @!p2 $0xFFFFE000  }
0x46: {  	s18 =	simm.s32 @!p0 $0x40;
	p3 =	por @!p2 p4, p3;
	_ =	swait.ge @!p2 [sflag:s9], $0x80  }
0x47: {  	p4 =	por p3, p2;
	p3 =	sge.u32 @!p1 s14, s7;
	[sflag:s9] =	ssyncset.done @!p2 $0x0  }
0x48: {  	s15 =	simm.s32 @!p4 $0xB;
	[sflag:s9] =	ssyncadd.s32 @!p2 $0xFFFFFF80;
	s9 =	simm.s32 @!p2 $0x80  }
0x49: {  	[spmem:s3] =	stream.indirect.scatter.add.f32 @!p2 [tilespmem:s8], [sflag:$0x7], $0x40, s17, s9, $0xb8;
	[tilespmem:$0xD300] =	vst v63  }
0x4a: {  	s14 =	simm.s32 @!p0 $0x8300;
	s9 =	simm.s32 @!p1 $0x2;
	_ =	swait.ge @!p4 [sflag:s15], $0x2000  }
0x4b: {  	s17 =	simm.s32 @!p0 $0x80;
	[sflag:s15] =	ssyncset.done @!p4 $0x0;
	s4 =	rddreg [dreg:$0x11]  }
0x4c: {  	p2 =	por p3, p1;
	s6 =	rddreg [dreg:$0x12];
	[sflag:s15] =	ssyncadd.s32 @!p4 $0xFFFFE000  }
0x4d: {  	[tilespmem:s14], [sflag:$0x5] =	stream.strided.gather @!p0 [hbm4b:s4+s18], $0x2000, s17, s18, $0x38;
	[tilespmem:$0xD300] =	vst v63  }
0x4e: {  	s15 =	simm.s32 @!p0 $0x200;
	s14 =	simm.s32 @!p0 $0x0;
	s17 =	sadd.s32 @!p0 $0xFFFFFFB0, s6  }
0x4f: {  	[tilespmem:s15], [sflag:$0x5] =	stream.linear.gather @!p0 [hbm4b:s17+s14], $0x80, $0x38;
	[tilespmem:$0xD300] =	vst v63  }
0x50: {  	s8 =	sadd.s32 $0x1, s16;
	s19 =	simm.s32 @!p2 $0xA300;
	_ =	swait.ge @!p1 [sflag:s9], $0x2000  }
0x51: {  	s31 =	sadd.s32 $0x3000, s4;
	s18 =	sadd.s32 @!p2 $0xFFFFFFC0, s6;
	[sflag:s9] =	ssyncset.done @!p1 $0x0  }
0x52: {  	p0 =	por @!p2 $0x1, $0x1;
	s14 =	simm.s32 @!p1 $0x2300;
	[sflag:s9] =	ssyncadd.s32 @!p1 $0xFFFFE000  }
0x53: {  	s15 =	simm.s32 @!p1 $0x80;
	p4 =	por @!p1 p0, p3;
	_ =	swait.ge @!p1 [sflag:s9], $0x80  }
0x54: {  	p0 =	sge.u32 s26, s7;
	p4 =	por p4, p1;
	[sflag:s9] =	ssyncset.done @!p1 $0x0  }
0x55: {  	p3 =	sge.u32 s2, s7;
	[sflag:s9] =	ssyncadd.s32 @!p1 $0xFFFFFF80;
	s9 =	simm.s32 @!p4 $0xC  }
0x56: {  	[spmem:s3] =	stream.indirect.scatter.add.f32 @!p1 [tilespmem:s14], [sflag:$0x8], $0x40, s15, s15, $0xb8;
	[tilespmem:$0xD300] =	vst v63  }
0x57: {  	s2 =	sadd.s32 @!p0 $0x0, s5;
	s17 =	sadd.s32 @!p3 $0x0, s5;
	_ =	swait.ge @!p4 [sflag:s9], $0x2000  }
0x58: {  	s20 =	simm.s32 @!p0 $0x4;
	s14 =	simm.s32 @!p2 $0x40;
	[sflag:s9] =	ssyncset.done @!p4 $0x0  }
0x59: {  	s15 =	simm.s32 @!p2 $0x80;
	s22 =	rddreg [dreg:$0x17];
	[sflag:s9] =	ssyncadd.s32 @!p4 $0xFFFFE000  }
0x5a: {  	[tilespmem:s19], [sflag:$0x6] =	stream.strided.gather @!p2 [hbm4b:s22+s14], $0x2000, s15, s14, $0x38;
	[tilespmem:$0xD300] =	vst v63  }
0x5b: {  	s9 =	simm.s32 @!p2 $0x280;
	s14 =	simm.s32 @!p3 $0x3;
	s15 =	simm.s32 @!p2 $0x0  }
0x5c: {  	[tilespmem:s9], [sflag:$0x6] =	stream.linear.gather @!p2 [hbm4b:s18+s15], $0x80, $0x38;
	[tilespmem:$0xD300] =	vst v63  }
0x5d: {  	s21 =	simm.s32 @!p0 $0x6300;
	s2 =	sadd.s32 @!p0 $0x7, s2;
	_ =	swait.ge @!p3 [sflag:s14], $0x2000  }
0x5e: {  	p1 =	sge.u32 @!p0 s2, s7;
	s2 =	sadd.s32 @!p3 $0x6, s17;
	[sflag:s14] =	ssyncset.done @!p3 $0x0  }
0x5f: {  	p4 =	sge.u32 @!p3 s2, s7;
	s2 =	simm.s32 @!p3 $0x100;
	[sflag:s14] =	ssyncadd.s32 @!p3 $0xFFFFE000  }
0x60: {  	p2 =	por p1, p0;
	s9 =	simm.s32 @!p3 $0x4300;
	_ =	swait.ge @!p3 [sflag:s14], $0x80  }
0x61: {  	s15 =	simm.s32 @!p3 $0x80;
	p1 =	por p4, p3;
	[sflag:s14] =	ssyncset.done @!p3 $0x0  }
0x62: {  	s17 =	simm.s32 @!p1 $0x7;
	s23 =	rddreg [dreg:$0x16];
	[sflag:s14] =	ssyncadd.s32 @!p3 $0xFFFFFF80  }
0x63: {  	[spmem:s3] =	stream.indirect.scatter.add.f32 @!p3 [tilespmem:s9], [sflag:$0x9], $0x40, s2, s15, $0xb8;
	[tilespmem:$0xD300] =	vst v63  }
0x64: {  	p4 =	sge.u32 s10, s7;
	s18 =	sshrl.u32 @!p1 s23, $0x3;
	_ =	swait.ge @!p1 [sflag:s17], $0x2000  }
0x65: {  	s19 =	simm.s32 @!p1 $0x80;
	s14 =	sadd.s32 @!p1 s1, s18;
	[sflag:s17] =	ssyncset.done @!p1 $0x0  }
0x66: {  	s18 =	simm.s32 @!p1 $0x300;
	s2 =	simm.s32 @!p1 $0x40;
	[sflag:s17] =	ssyncadd.s32 @!p1 $0xFFFFE000  }
0x67: {  	[tilespmem:s18], [sflag:$0x1] =	stream.strided.gather @!p1 [hbm4b:s14+s2], $0x2000, s19, s2, $0x38;
	[tilespmem:$0xD300] =	vst v63  }
0x68: {  	s29 =	simm.s32 @!p2 $0x8;
	s9 =	sadd.s32 @!p1 $0xFFFFFFD0, s6;
	s15 =	simm.s32 @!p1 $0x0  }
0x69: {  	[tilespmem:s15], [sflag:$0x1] =	stream.linear.gather @!p1 [hbm4b:s9+s15], $0x80, $0x38;
	[tilespmem:$0xD300] =	vst v63  }
0x6a: {  	s28 =	simm.s32 @!p2 $0x40;
	s0 =	sadd.s32 $0x18000, s23;
	_ =	swait.ge @!p0 [sflag:s20], $0x2000  }
0x6b: {  	p3 =	sge.u32 s24, s7;
	s24 =	simm.s32 @!p2 $0x0;
	[sflag:s20] =	ssyncset.done @!p0 $0x0  }
0x6c: {  	s19 =	simm.s32 @!p0 $0x180;
	s2 =	sadd.s32 $0x3000, s22;
	[sflag:s20] =	ssyncadd.s32 @!p0 $0xFFFFE000  }
0x6d: {  	s18 =	simm.s32 @!p2 $0x2300;
	s22 =	simm.s32 @!p3 $0x5;
	_ =	swait.ge @!p0 [sflag:s20], $0x80  }
0x6e: {  	s9 =	sadd.s32 @!p3 $0x0, s5;
	s15 =	sadd.s32 $0x60, s6;
	s23 =	rddreg [dreg:$0x15]  }
0x6f: {  	p1 =	sge.u32 s16, s7;
	s9 =	sadd.s32 @!p3 $0x8, s9;
	s1 =	rddreg [dreg:$0x13]  }
0x70: {  	p5 =	sge.u32 @!p3 s9, s7;
	[sflag:s20] =	ssyncset.done @!p0 $0x0;
	s26 =	rddreg [dreg:$0x14]  }
0x71: {  	s9 =	sadd.s32 $0x3000, s23;
	[sflag:s20] =	ssyncadd.s32 @!p0 $0xFFFFFF80;
	s20 =	simm.s32 @!p0 $0x80  }
0x72: {  	[spmem:s3] =	stream.indirect.scatter.add.f32 @!p0 [tilespmem:s21], [sflag:$0xA], $0x40, s19, s20, $0xb8;
	[tilespmem:$0xD300] =	vst v63  }
0x73: {  	s14 =	sadd.s32 $0x3000, s1;
	s17 =	sadd.s32 $0x3000, s26;
	_ =	swait.ge @!p2 [sflag:s29], $0x2000  }
0x74: {  	s19 =	smov.u32 s6;
	s21 =	smov.u32 s26;
	[sflag:s29] =	ssyncset.done @!p2 $0x0  }
0x75: {  	s20 =	smov.u32 s1;
	[sflag:s29] =	ssyncadd.s32 @!p2 $0xFFFFE000;
	s29 =	simm.s32 @!p2 $0x80  }
.LBB2_4:
0x76: {  	[tilespmem:s18], [sflag:$0x2] =	stream.strided.gather @!p2 [hbm4b:s23+s28], $0x2000, s29, s28, $0x38;
	[tilespmem:$0xD300] =	vst v63  }
0x77: {  	s28 =	smov.u32 s30;
	s18 =	smov.u32 s13;
	s10 =	smov.u32 s11  }
0x78: {  	s11 =	sadd.s32 @!p2 $0xFFFFFFE0, s19;
	s26 =	simm.s32 @!p3 $0x8300;
	s13 =	sadd.s32 @!p4 s25, s5  }
0x79: {  	s23 =	sadd.s32 @!p1 s12, s5;
	s25 =	smov.u32 s12;
	s30 =	sadd.s32 $0x6, s30  }
0x7a: {  	[tilespmem:s29], [sflag:$0x2] =	stream.linear.gather @!p2 [hbm4b:s11+s24], $0x80, $0x38;
	[tilespmem:$0xD300] =	vst v63  }
0x7b: {  	s12 =	simm.s32 @!p3 $0x200;
	p0 =	por p5, p3;
	_ =	swait.ge @!p3 [sflag:s22], $0x2000  }
0x7c: {  	s6 =	sadd.s32 @!p4 $0x9, s13;
	s4 =	simm.s32 @!p0 $0x9;
	[sflag:s22] =	ssyncset.done @!p3 $0x0  }
0x7d: {  	s1 =	sadd.s32 @!p1 $0x4, s23;
	p2 =	sne.s32 s30, $0x30;
	[sflag:s22] =	ssyncadd.s32 @!p3 $0xFFFFE000  }
0x7e: {  	p6 =	sge.u32 @!p4 s6, s7;
	s6 =	simm.s32 @!p2 $0x0;
	_ =	swait.ge @!p3 [sflag:s22], $0x80  }
0x7f: {  	s24 =	sadd.s32 s28, s5;
	s6 =	simm.s32 @p2 $0x1;
	[sflag:s22] =	ssyncset.done @!p3 $0x0  }
0x80: {  	s29 =	simm.s32 @!p3 $0x80;
	[smem:$0x7FD] =	sst s6;
	[sflag:s22] =	ssyncadd.s32 @!p3 $0xFFFFFF80  }
0x81: {  	[spmem:s3] =	stream.indirect.scatter.add.f32 @!p3 [tilespmem:s26], [sflag:$0xB], $0x40, s12, s29, $0xb8;
	[tilespmem:$0xD300] =	vst v63  }
0x82: {  	p2 =	sge.u32 s8, s7;
	s8 =	simm.s32 @!p0 $0x4300;
	_ =	swait.ge @!p0 [sflag:s4], $0x2000  }
0x83: {  	s6 =	sadd.s32 @!p0 $0xFFFFFFF0, s19;
	s22 =	simm.s32 @!p0 $0x80;
	[sflag:s4] =	ssyncset.done @!p0 $0x0  }
0x84: {  	s12 =	simm.s32 @!p0 $0x0;
	[sflag:s4] =	ssyncadd.s32 @!p0 $0xFFFFE000;
	s4 =	simm.s32 @!p0 $0x40  }
0x85: {  	[tilespmem:s8], [sflag:$0x3] =	stream.strided.gather @!p0 [hbm4b:s21+s4], $0x2000, s22, s4, $0x38;
	[tilespmem:$0xD300] =	vst v63  }
0x86: {  	p3 =	sge.u32 @!p1 s1, s7;
	s1 =	simm.s32 @!p0 $0x100;
	s4 =	simm.s32 @!p4 $0x6  }
0x87: {  	[tilespmem:s1], [sflag:$0x3] =	stream.linear.gather @!p0 [hbm4b:s6+s12], $0x80, $0x38;
	[tilespmem:$0xD300] =	vst v63  }
0x88: {  	p5 =	por p3, p1;
	s8 =	simm.s32 @!p4 $0xA300;
	_ =	swait.ge @!p4 [sflag:s4], $0x2000  }
0x89: {  	s21 =	simm.s32 @!p4 $0x80;
	s1 =	sadd.s32 @!p2 s25, s5;
	[sflag:s4] =	ssyncset.done @!p4 $0x0  }
0x8a: {  	p0 =	seq.s32 @!p5 s25, $0x0;
	s12 =	smov.u32 s28;
	[sflag:s4] =	ssyncadd.s32 @!p4 $0xFFFFE000  }
0x8b: {  	s6 =	simm.s32 @!p4 $0x280;
	s1 =	sadd.s32 @!p2 $0x5, s1;
	_ =	swait.ge @!p4 [sflag:s4], $0x80  }
0x8c: {  	p0 =	por @!p1 p0, p3;
	p3 =	por p6, p4;
	[sflag:s4] =	ssyncset.done @!p4 $0x0  }
0x8d: {  	s26 =	simm.s32 @!p3 $0x80;
	[sflag:s4] =	ssyncadd.s32 @!p4 $0xFFFFFF80;
	s4 =	simm.s32 @!p3 $0xA  }
0x8e: {  	[spmem:s3] =	stream.indirect.scatter.add.f32 @!p4 [tilespmem:s8], [sflag:$0xC], $0x40, s6, s21, $0xb8;
	[tilespmem:$0xD300] =	vst v63  }
0x8f: {  	s28 =	simm.s32 @!p3 $0x180;
	p0 =	por p0, p1;
	_ =	swait.ge @!p3 [sflag:s4], $0x2000  }
0x90: {  	s8 =	simm.s32 @!p3 $0x6300;
	p4 =	sge.u32 @!p2 s1, s7;
	[sflag:s4] =	ssyncset.done @!p3 $0x0  }
0x91: {  	s21 =	simm.s32 @!p3 $0x40;
	s1 =	simm.s32 @!p4 $0x0;
	[sflag:s4] =	ssyncadd.s32 @!p3 $0xFFFFE000  }
0x92: {  	[tilespmem:s8], [sflag:$0x4] =	stream.strided.gather @!p3 [hbm4b:s20+s21], $0x2000, s26, s21, $0x38;
	[tilespmem:$0xD300] =	vst v63  }
0x93: {  	s6 =	simm.s32 @!p1 $0x1;
	s1 =	simm.s32 @p4 $0x1;
	s8 =	simm.s32 @!p0 $0x0  }
0x94: {  	p6 =	por p4, p2;
	[smem:$0x7F9] =	sst s1;
	s8 =	simm.s32 @p0 $0x1  }
0x95: {  	p4 =	seq.s32 @!p6 s25, $0x0;
	s4 =	simm.s32 @!p3 $0x0;
	[smem:$0x7FB] =	sst s8  }
0x96: {  	[tilespmem:s28], [sflag:$0x4] =	stream.linear.gather @!p3 [hbm4b:s19+s4], $0x80, $0x38;
	[tilespmem:$0xD300] =	vst v63  }
0x97: {  	s8 =	simm.s32 @!p4 $0x0;
	_ =	swait.ge @!p1 [sflag:s6], $0x2000  }
0x98: {  	s8 =	simm.s32 @p4 $0x1;
	[sflag:s6] =	ssyncset.done @!p1 $0x0  }
0x99: {  	[smem:$0x7FA] =	sst s8;
	[sflag:s6] =	ssyncadd.s32 @!p1 $0xFFFFE000  }
0x9a: {  	_ =	swait.ge @!p1 [sflag:s6], $0x80  }
0x9b: {  	s26 =	sld [smem:$0x7F9]  }
0x9c: {  	s20 =	sld [smem:$0x7FA]  }
0x9d: {  	s21 =	sadd.s32 $0x2, s16  }
0x9e: {  	p3 =	sge.u32 s21, s7  }
0x9f: {  	s8 =	simm.s32 @!p0 $0xB;
	p4 =	seq.s32 s26, $0x1;
	p0 =	seq.s32 s20, $0x1  }
0xa0: {  	[sflag:s6] =	ssyncset.done @!p1 $0x0;
	s21 =	sld [smem:$0x7FB];
	p4 =	por @!p2 p0, p4  }
0xa1: {  	s22 =	sadd.s32 $0x3, s16;
	[sflag:s6] =	ssyncadd.s32 @!p1 $0xFFFFFF80;
	s16 =	simm.s32 @!p4 $0x0  }
0xa2: {  	s6 =	simm.s32 @!p1 $0x80;
	s20 =	simm.s32 @!p1 $0x0;
	s16 =	simm.s32 @p4 $0x1  }
0xa3: {  	p0 =	seq.s32 s21, $0x1;
	[smem:$0x7FC] =	sst s16;
	s16 =	simm.s32 @!p1 $0x300  }
0xa4: {  	[spmem:s3] =	stream.indirect.scatter.add.f32 @!p1 [tilespmem:s16], [sflag:$0x7], $0x40, s20, s6, $0xb8;
	[tilespmem:$0xD300] =	vst v63  }
0xa5: {  	s1 =	simm.s32 @!p5 $0x8300;
	s19 =	simm.s32 @!p2 $0x2;
	_ =	swait.ge @!p0 [sflag:s8], $0x2000  }
0xa6: {  	s4 =	simm.s32 @!p5 $0x0;
	p4 =	sge.u32 s22, s7;
	[sflag:s8] =	ssyncset.done @!p0 $0x0  }
0xa7: {  	s6 =	simm.s32 @!p5 $0x80;
	s20 =	simm.s32 @!p5 $0x40;
	[sflag:s8] =	ssyncadd.s32 @!p0 $0xFFFFE000  }
0xa8: {  	[tilespmem:s1], [sflag:$0x5] =	stream.strided.gather @!p5 [hbm4b:s31+s20], $0x2000, s6, s20, $0x38;
	[tilespmem:$0xD300] =	vst v63  }
0xa9: {  	s16 =	simm.s32 @!p5 $0x200;
	s22 =	sld [smem:$0x7FC];
	s1 =	sadd.s32 @!p5 $0xFFFFFFB0, s15  }
0xaa: {  	[tilespmem:s16], [sflag:$0x5] =	stream.linear.gather @!p5 [hbm4b:s1+s4], $0x80, $0x38;
	[tilespmem:$0xD300] =	vst v63  }
0xab: {  	s13 =	sadd.s32 $0x4, s24;
	s11 =	sadd.s32 $0x5, s24;
	_ =	swait.ge @!p2 [sflag:s19], $0x2000  }
0xac: {  	s23 =	sadd.s32 $0x1, s24;
	p1 =	seq.s32 s22, $0x1;
	[sflag:s19] =	ssyncset.done @!p2 $0x0  }
0xad: {  	p1 =	por p1, p2;
	s1 =	sadd.s32 @!p3 s25, s5;
	[sflag:s19] =	ssyncadd.s32 @!p2 $0xFFFFE000  }
0xae: {  	s4 =	simm.s32 @!p2 $0x2300;
	s16 =	smov.u32 s24;
	_ =	swait.ge @!p2 [sflag:s19], $0x80  }
0xaf: {  	s1 =	sadd.s32 @!p3 $0x6, s1;
	s24 =	simm.s32 @!p1 $0xC;
	[sflag:s19] =	ssyncset.done @!p2 $0x0  }
0xb0: {  	p5 =	sge.u32 @!p3 s1, s7;
	s1 =	simm.s32 @!p2 $0x80;
	[sflag:s19] =	ssyncadd.s32 @!p2 $0xFFFFFF80  }
0xb1: {  	[spmem:s3] =	stream.indirect.scatter.add.f32 @!p2 [tilespmem:s4], [sflag:$0x8], $0x40, s1, s1, $0xb8;
	[tilespmem:$0xD300] =	vst v63  }
0xb2: {  	_ =	swait.ge @!p1 [sflag:s24], $0x2000  }
0xb3: {  	s26 =	sadd.s32 @!p6 $0xFFFFFFC0, s15;
	s6 =	simm.s32 @!p6 $0x40;
	[sflag:s24] =	ssyncset.done @!p1 $0x0  }
0xb4: {  	s22 =	simm.s32 @!p6 $0x80;
	s1 =	simm.s32 @!p6 $0xA300;
	[sflag:s24] =	ssyncadd.s32 @!p1 $0xFFFFE000  }
0xb5: {  	[tilespmem:s1], [sflag:$0x6] =	stream.strided.gather @!p6 [hbm4b:s2+s6], $0x2000, s22, s6, $0x38;
	[tilespmem:$0xD300] =	vst v63  }
0xb6: {  	s4 =	simm.s32 @!p6 $0x280;
	s24 =	simm.s32 @!p3 $0x3;
	s1 =	simm.s32 @!p6 $0x0  }
0xb7: {  	[tilespmem:s4], [sflag:$0x6] =	stream.linear.gather @!p6 [hbm4b:s26+s1], $0x80, $0x38;
	[tilespmem:$0xD300] =	vst v63  }
0xb8: {  	s21 =	sadd.s32 @!p4 s25, s5;
	_ =	swait.ge @!p3 [sflag:s24], $0x2000  }
0xb9: {  	s8 =	sadd.s32 @!p4 $0x7, s21;
	[sflag:s24] =	ssyncset.done @!p3 $0x0  }
0xba: {  	p0 =	sge.u32 @!p4 s8, s7;
	[sflag:s24] =	ssyncadd.s32 @!p3 $0xFFFFE000  }
0xbb: {  	p2 =	por p0, p4;
	p0 =	por p5, p3;
	_ =	swait.ge @!p3 [sflag:s24], $0x80  }
0xbc: {  	s6 =	simm.s32 @!p3 $0x80;
	s22 =	simm.s32 @!p0 $0x7;
	[sflag:s24] =	ssyncset.done @!p3 $0x0  }
0xbd: {  	s1 =	simm.s32 @!p3 $0x100;
	s4 =	simm.s32 @!p3 $0x4300;
	[sflag:s24] =	ssyncadd.s32 @!p3 $0xFFFFFF80  }
0xbe: {  	[spmem:s3] =	stream.indirect.scatter.add.f32 @!p3 [tilespmem:s4], [sflag:$0x9], $0x40, s1, s6, $0xb8;
	[tilespmem:$0xD300] =	vst v63  }
0xbf: {  	s28 =	simm.s32 @!p0 $0x80;
	s24 =	rddreg [dreg:$0x0];
	_ =	swait.ge @!p0 [sflag:s22], $0x2000  }
0xc0: {  	s26 =	sshrl.u32 @!p0 s0, $0x3;
	s6 =	simm.s32 @!p0 $0x40;
	[sflag:s22] =	ssyncset.done @!p0 $0x0  }
0xc1: {  	s24 =	sadd.s32 @!p0 s24, s26;
	s26 =	simm.s32 @!p0 $0x300;
	[sflag:s22] =	ssyncadd.s32 @!p0 $0xFFFFE000  }
0xc2: {  	[tilespmem:s26], [sflag:$0x1] =	stream.strided.gather @!p0 [hbm4b:s24+s6], $0x2000, s28, s6, $0x38;
	[tilespmem:$0xD300] =	vst v63  }
0xc3: {  	s29 =	simm.s32 @!p4 $0x4;
	s1 =	sadd.s32 @!p0 $0xFFFFFFD0, s15;
	s4 =	simm.s32 @!p0 $0x0  }
0xc4: {  	[tilespmem:s4], [sflag:$0x1] =	stream.linear.gather @!p0 [hbm4b:s1+s4], $0x80, $0x38;
	[tilespmem:$0xD300] =	vst v63  }
0xc5: {  	_ =	swait.ge @!p4 [sflag:s29], $0x2000  }
0xc6: {  	[sflag:s29] =	ssyncset.done @!p4 $0x0  }
0xc7: {  	p3 =	sge.u32 s18, s7;
	s6 =	simm.s32 @!p4 $0x180;
	[sflag:s29] =	ssyncadd.s32 @!p4 $0xFFFFE000  }
0xc8: {  	s24 =	simm.s32 @!p4 $0x6300;
	s1 =	sadd.s32 @!p3 s25, s5;
	_ =	swait.ge @!p4 [sflag:s29], $0x80  }
0xc9: {  	s4 =	simm.s32 @!p2 $0x8;
	s1 =	sadd.s32 @!p3 $0x8, s1;
	[sflag:s29] =	ssyncset.done @!p4 $0x0  }
0xca: {  	p5 =	sge.u32 @!p3 s1, s7;
	s1 =	simm.s32 @!p4 $0x80;
	[sflag:s29] =	ssyncadd.s32 @!p4 $0xFFFFFF80  }
0xcb: {  	[spmem:s3] =	stream.indirect.scatter.add.f32 @!p4 [tilespmem:s24], [sflag:$0xA], $0x40, s6, s1, $0xb8;
	[tilespmem:$0xD300] =	vst v63  }
0xcc: {  	_ =	swait.ge @!p2 [sflag:s4], $0x2000  }
0xcd: {  	s26 =	sld [smem:$0x7FD]  }
0xce: {  	s21 =	smov.u32 s17;
	s17 =	sadd.s32 $0x3000, s17  }
0xcf: {  	s8 =	smov.u32 s23;
	s23 =	smov.u32 s9;
	s20 =	smov.u32 s14  }
0xd0: {  	s9 =	sadd.s32 $0x3000, s9;
	s14 =	sadd.s32 $0x3000, s14;
	p0 =	seq.s32 s26, $0x1  }
.Ltmp1:
0xd1: {  	s31 =	sadd.s32 $0x3000, s31;
	s19 =	smov.u32 s15;
	(pc) =	sbr.rel @p0 .LBB2_4-.Ltmp1, $4  }
0xd2: {  	p1 =	sge.u32 s16, s7;
	s2 =	sadd.s32 $0x3000, s2;
	s0 =	sadd.s32 $0x18000, s0  }
0xd3: {  	s18 =	simm.s32 @!p2 $0x2300;
	s15 =	sadd.s32 $0x60, s15;
	s22 =	simm.s32 @!p3 $0x5  }
0xd4: {  	s28 =	simm.s32 @!p2 $0x40;
	s29 =	simm.s32 @!p2 $0x80;
	[sflag:s4] =	ssyncset.done @!p2 $0x0  }
0xd5: {  	s24 =	simm.s32 @!p2 $0x0;
	p4 =	sge.u32 s10, s7;
	[sflag:s4] =	ssyncadd.s32 @!p2 $0xFFFFE000  }
0xd6: {  	[tilespmem:s18], [sflag:$0x2] =	stream.strided.gather @!p2 [hbm4b:s23+s28], $0x2000, s29, s28, $0x38;
	[tilespmem:$0xD300] =	vst v63  }
0xd7: {  	s1 =	sadd.s32 @!p2 $0xFFFFFFE0, s19  }
0xd8: {  	[tilespmem:s29], [sflag:$0x2] =	stream.linear.gather @!p2 [hbm4b:s1+s24], $0x80, $0x38;
	[tilespmem:$0xD300] =	vst v63  }
0xd9: {  	_ =	swait.ge @!p3 [sflag:s22], $0x2000  }
0xda: {  	[sflag:s22] =	ssyncset.done @!p3 $0x0  }
0xdb: {  	[sflag:s22] =	ssyncadd.s32 @!p3 $0xFFFFE000  }
0xdc: {  	_ =	swait.ge @!p3 [sflag:s22], $0x80  }
0xdd: {  	s4 =	simm.s32 @!p3 $0x200;
	s6 =	simm.s32 @!p3 $0x80;
	[sflag:s22] =	ssyncset.done @!p3 $0x0  }
0xde: {  	p0 =	por p5, p3;
	s1 =	simm.s32 @!p3 $0x8300;
	[sflag:s22] =	ssyncadd.s32 @!p3 $0xFFFFFF80  }
0xdf: {  	[spmem:s3] =	stream.indirect.scatter.add.f32 @!p3 [tilespmem:s1], [sflag:$0xB], $0x40, s4, s6, $0xb8;
	[tilespmem:$0xD300] =	vst v63  }
0xe0: {  	s1 =	simm.s32 @!p0 $0x9  }
0xe1: {  	_ =	swait.ge @!p0 [sflag:s1], $0x2000  }
0xe2: {  	s4 =	simm.s32 @!p0 $0x4300;
	[sflag:s1] =	ssyncset.done @!p0 $0x0  }
0xe3: {  	s6 =	simm.s32 @!p0 $0x80;
	[sflag:s1] =	ssyncadd.s32 @!p0 $0xFFFFE000;
	s1 =	simm.s32 @!p0 $0x40  }
0xe4: {  	[tilespmem:s4], [sflag:$0x3] =	stream.strided.gather @!p0 [hbm4b:s21+s1], $0x2000, s6, s1, $0x38;
	[tilespmem:$0xD300] =	vst v63  }
0xe5: {  	s1 =	sadd.s32 @!p0 $0xFFFFFFF0, s19;
	s4 =	simm.s32 @!p0 $0x0;
	s6 =	simm.s32 @!p0 $0x100  }
0xe6: {  	[tilespmem:s6], [sflag:$0x3] =	stream.linear.gather @!p0 [hbm4b:s1+s4], $0x80, $0x38;
	[tilespmem:$0xD300] =	vst v63  }
0xe7: {  	s1 =	simm.s32 @!p4 $0x6  }
0xe8: {  	_ =	swait.ge @!p4 [sflag:s1], $0x2000  }
0xe9: {  	[sflag:s1] =	ssyncset.done @!p4 $0x0  }
0xea: {  	s4 =	sadd.s32 @!p4 s25, s5;
	[sflag:s1] =	ssyncadd.s32 @!p4 $0xFFFFE000  }
0xeb: {  	s6 =	simm.s32 @!p4 $0xA300;
	s4 =	sadd.s32 @!p4 $0x9, s4;
	_ =	swait.ge @!p4 [sflag:s1], $0x80  }
0xec: {  	p0 =	sge.u32 @!p4 s4, s7;
	s4 =	simm.s32 @!p4 $0x280;
	[sflag:s1] =	ssyncset.done @!p4 $0x0  }
0xed: {  	p0 =	por p0, p4;
	[sflag:s1] =	ssyncadd.s32 @!p4 $0xFFFFFF80;
	s1 =	simm.s32 @!p4 $0x80  }
0xee: {  	[spmem:s3] =	stream.indirect.scatter.add.f32 @!p4 [tilespmem:s6], [sflag:$0xC], $0x40, s4, s1, $0xb8;
	[tilespmem:$0xD300] =	vst v63  }
0xef: {  	s1 =	simm.s32 @!p0 $0xA  }
0xf0: {  	_ =	swait.ge @!p0 [sflag:s1], $0x2000  }
0xf1: {  	s4 =	simm.s32 @!p0 $0x6300;
	[sflag:s1] =	ssyncset.done @!p0 $0x0  }
0xf2: {  	s6 =	simm.s32 @!p0 $0x40;
	[sflag:s1] =	ssyncadd.s32 @!p0 $0xFFFFE000;
	s1 =	simm.s32 @!p0 $0x80  }
0xf3: {  	[tilespmem:s4], [sflag:$0x4] =	stream.strided.gather @!p0 [hbm4b:s20+s6], $0x2000, s1, s6, $0x38;
	[tilespmem:$0xD300] =	vst v63  }
0xf4: {  	s1 =	simm.s32 @!p0 $0x0;
	s4 =	simm.s32 @!p0 $0x180  }
0xf5: {  	[tilespmem:s4], [sflag:$0x4] =	stream.linear.gather @!p0 [hbm4b:s19+s1], $0x80, $0x38;
	[tilespmem:$0xD300] =	vst v63  }
0xf6: {  	s1 =	sadd.s32 @!p1 s12, s5;
	s4 =	simm.s32 @!p1 $0x1  }
0xf7: {  	s1 =	sadd.s32 @!p1 $0x4, s1;
	_ =	swait.ge @!p1 [sflag:s4], $0x2000  }
0xf8: {  	p2 =	sge.u32 @!p1 s1, s7;
	[sflag:s4] =	ssyncset.done @!p1 $0x0  }
0xf9: {  	p0 =	por p2, p1;
	[sflag:s4] =	ssyncadd.s32 @!p1 $0xFFFFE000  }
0xfa: {  	s6 =	simm.s32 @!p1 $0x0;
	p3 =	seq.s32 @!p0 s12, $0x0;
	_ =	swait.ge @!p1 [sflag:s4], $0x80  }
0xfb: {  	s1 =	simm.s32 @!p1 $0x300;
	p2 =	por @!p1 p3, p2;
	[sflag:s4] =	ssyncset.done @!p1 $0x0  }
0xfc: {  	p2 =	por p2, p1;
	[sflag:s4] =	ssyncadd.s32 @!p1 $0xFFFFFF80;
	s4 =	simm.s32 @!p1 $0x80  }
0xfd: {  	[spmem:s3] =	stream.indirect.scatter.add.f32 @!p1 [tilespmem:s1], [sflag:$0x7], $0x40, s6, s4, $0xb8;
	[tilespmem:$0xD300] =	vst v63  }
0xfe: {  	s1 =	simm.s32 @!p2 $0xB  }
0xff: {  	_ =	swait.ge @!p2 [sflag:s1], $0x2000  }
0x100: {  	s4 =	simm.s32 @!p0 $0x8300;
	s6 =	simm.s32 @!p0 $0x80;
	[sflag:s1] =	ssyncset.done @!p2 $0x0  }
0x101: {  	p1 =	sge.u32 s8, s7;
	[sflag:s1] =	ssyncadd.s32 @!p2 $0xFFFFE000;
	s1 =	simm.s32 @!p0 $0x40  }
0x102: {  	[tilespmem:s4], [sflag:$0x5] =	stream.strided.gather @!p0 [hbm4b:s31+s1], $0x2000, s6, s1, $0x38;
	[tilespmem:$0xD300] =	vst v63  }
0x103: {  	s1 =	simm.s32 @!p0 $0x0;
	s4 =	simm.s32 @!p0 $0x200;
	s6 =	sadd.s32 @!p0 $0xFFFFFFB0, s15  }
0x104: {  	[tilespmem:s4], [sflag:$0x5] =	stream.linear.gather @!p0 [hbm4b:s6+s1], $0x80, $0x38;
	[tilespmem:$0xD300] =	vst v63  }
0x105: {  	s1 =	sadd.s32 @!p1 s12, s5;
	s4 =	simm.s32 @!p1 $0x2  }
0x106: {  	s1 =	sadd.s32 @!p1 $0x5, s1;
	_ =	swait.ge @!p1 [sflag:s4], $0x2000  }
0x107: {  	p2 =	sge.u32 @!p1 s1, s7;
	[sflag:s4] =	ssyncset.done @!p1 $0x0  }
0x108: {  	p0 =	por p2, p1;
	[sflag:s4] =	ssyncadd.s32 @!p1 $0xFFFFE000  }
0x109: {  	p3 =	seq.s32 @!p0 s12, $0x0;
	_ =	swait.ge @!p1 [sflag:s4], $0x80  }
0x10a: {  	s6 =	simm.s32 @!p1 $0x80;
	p2 =	por @!p1 p3, p2;
	[sflag:s4] =	ssyncset.done @!p1 $0x0  }
0x10b: {  	s1 =	simm.s32 @!p1 $0x2300;
	p2 =	por p2, p1;
	[sflag:s4] =	ssyncadd.s32 @!p1 $0xFFFFFF80  }
0x10c: {  	[spmem:s3] =	stream.indirect.scatter.add.f32 @!p1 [tilespmem:s1], [sflag:$0x8], $0x40, s6, s6, $0xb8;
	[tilespmem:$0xD300] =	vst v63  }
0x10d: {  	s1 =	simm.s32 @!p2 $0xC  }
0x10e: {  	s20 =	sadd.s32 $0x2, s16;
	_ =	swait.ge @!p2 [sflag:s1], $0x2000  }
0x10f: {  	s4 =	simm.s32 @!p0 $0x40;
	s6 =	simm.s32 @!p0 $0x80;
	[sflag:s1] =	ssyncset.done @!p2 $0x0  }
0x110: {  	p1 =	sge.u32 s20, s7;
	[sflag:s1] =	ssyncadd.s32 @!p2 $0xFFFFE000;
	s1 =	simm.s32 @!p0 $0xA300  }
0x111: {  	[tilespmem:s1], [sflag:$0x6] =	stream.strided.gather @!p0 [hbm4b:s2+s4], $0x2000, s6, s4, $0x38;
	[tilespmem:$0xD300] =	vst v63  }
0x112: {  	s1 =	sadd.s32 @!p0 $0xFFFFFFC0, s15;
	s2 =	simm.s32 @!p0 $0x280;
	s4 =	simm.s32 @!p0 $0x0  }
0x113: {  	[tilespmem:s2], [sflag:$0x6] =	stream.linear.gather @!p0 [hbm4b:s1+s4], $0x80, $0x38;
	[tilespmem:$0xD300] =	vst v63  }
0x114: {  	s1 =	simm.s32 @!p1 $0x3  }
0x115: {  	_ =	swait.ge @!p1 [sflag:s1], $0x2000  }
0x116: {  	[sflag:s1] =	ssyncset.done @!p1 $0x0  }
0x117: {  	s21 =	sadd.s32 $0x3, s16;
	s2 =	sadd.s32 @!p1 s12, s5;
	[sflag:s1] =	ssyncadd.s32 @!p1 $0xFFFFE000  }
0x118: {  	s4 =	simm.s32 @!p1 $0x4300;
	s2 =	sadd.s32 @!p1 $0x6, s2;
	_ =	swait.ge @!p1 [sflag:s1], $0x80  }
0x119: {  	p0 =	sge.u32 @!p1 s2, s7;
	s2 =	simm.s32 @!p1 $0x100;
	[sflag:s1] =	ssyncset.done @!p1 $0x0  }
0x11a: {  	p2 =	por p0, p1;
	[sflag:s1] =	ssyncadd.s32 @!p1 $0xFFFFFF80;
	s1 =	simm.s32 @!p1 $0x80  }
0x11b: {  	[spmem:s3] =	stream.indirect.scatter.add.f32 @!p1 [tilespmem:s4], [sflag:$0x9], $0x40, s2, s1, $0xb8;
	[tilespmem:$0xD300] =	vst v63  }
0x11c: {  	p0 =	sge.u32 s21, s7;
	s1 =	simm.s32 @!p2 $0x7  }
0x11d: {  	s0 =	sshrl.u32 @!p2 s0, $0x3;
	s2 =	simm.s32 @!p2 $0x300;
	_ =	swait.ge @!p2 [sflag:s1], $0x2000  }
0x11e: {  	s4 =	simm.s32 @!p2 $0x40;
	s8 =	rddreg [dreg:$0x0];
	[sflag:s1] =	ssyncset.done @!p2 $0x0  }
0x11f: {  	s0 =	sadd.s32 @!p2 s8, s0;
	[sflag:s1] =	ssyncadd.s32 @!p2 $0xFFFFE000;
	s1 =	simm.s32 @!p2 $0x80  }
0x120: {  	[tilespmem:s2], [sflag:$0x1] =	stream.strided.gather @!p2 [hbm4b:s0+s4], $0x2000, s1, s4, $0x38;
	[tilespmem:$0xD300] =	vst v63  }
0x121: {  	s0 =	sadd.s32 @!p2 $0xFFFFFFD0, s15;
	s1 =	simm.s32 @!p2 $0x0;
	s2 =	simm.s32 @!p0 $0x4  }
0x122: {  	[tilespmem:s1], [sflag:$0x1] =	stream.linear.gather @!p2 [hbm4b:s0+s1], $0x80, $0x38;
	[tilespmem:$0xD300] =	vst v63  }
0x123: {  	_ =	swait.ge @!p0 [sflag:s2], $0x2000  }
0x124: {  	[sflag:s2] =	ssyncset.done @!p0 $0x0  }
0x125: {  	s0 =	sadd.s32 @!p0 s12, s5;
	[sflag:s2] =	ssyncadd.s32 @!p0 $0xFFFFE000  }
0x126: {  	s1 =	simm.s32 @!p0 $0x6300;
	s0 =	sadd.s32 @!p0 $0x7, s0;
	_ =	swait.ge @!p0 [sflag:s2], $0x80  }
0x127: {  	p1 =	sge.u32 @!p0 s0, s7;
	s0 =	simm.s32 @!p0 $0x180;
	[sflag:s2] =	ssyncset.done @!p0 $0x0  }
0x128: {  	p1 =	por p1, p0;
	[sflag:s2] =	ssyncadd.s32 @!p0 $0xFFFFFF80;
	s2 =	simm.s32 @!p0 $0x80  }
0x129: {  	[spmem:s3] =	stream.indirect.scatter.add.f32 @!p0 [tilespmem:s1], [sflag:$0xA], $0x40, s0, s2, $0xb8;
	[tilespmem:$0xD300] =	vst v63  }
0x12a: {  	s0 =	simm.s32 @!p1 $0x8  }
0x12b: {  	_ =	swait.ge @!p1 [sflag:s0], $0x2000  }
0x12c: {  	s1 =	simm.s32 @!p1 $0x2300;
	[sflag:s0] =	ssyncset.done @!p1 $0x0  }
0x12d: {  	s2 =	simm.s32 @!p1 $0x40;
	[sflag:s0] =	ssyncadd.s32 @!p1 $0xFFFFE000;
	s0 =	simm.s32 @!p1 $0x80  }
0x12e: {  	[tilespmem:s1], [sflag:$0x2] =	stream.strided.gather @!p1 [hbm4b:s9+s2], $0x2000, s0, s2, $0x38;
	[tilespmem:$0xD300] =	vst v63  }
0x12f: {  	p0 =	sge.u32 s13, s7;
	s1 =	simm.s32 @!p1 $0x0;
	s2 =	sadd.s32 @!p1 $0xFFFFFFE0, s15  }
0x130: {  	[tilespmem:s0], [sflag:$0x2] =	stream.linear.gather @!p1 [hbm4b:s2+s1], $0x80, $0x38;
	[tilespmem:$0xD300] =	vst v63  }
0x131: {  	s0 =	simm.s32 @!p0 $0x5  }
0x132: {  	_ =	swait.ge @!p0 [sflag:s0], $0x2000  }
0x133: {  	[sflag:s0] =	ssyncset.done @!p0 $0x0  }
0x134: {  	s1 =	sadd.s32 @!p0 s12, s5;
	[sflag:s0] =	ssyncadd.s32 @!p0 $0xFFFFE000  }
0x135: {  	s2 =	simm.s32 @!p0 $0x200;
	s1 =	sadd.s32 @!p0 $0x8, s1;
	_ =	swait.ge @!p0 [sflag:s0], $0x80  }
0x136: {  	p1 =	sge.u32 @!p0 s1, s7;
	s1 =	simm.s32 @!p0 $0x8300;
	[sflag:s0] =	ssyncset.done @!p0 $0x0  }
0x137: {  	p1 =	por p1, p0;
	[sflag:s0] =	ssyncadd.s32 @!p0 $0xFFFFFF80;
	s0 =	simm.s32 @!p0 $0x80  }
0x138: {  	[spmem:s3] =	stream.indirect.scatter.add.f32 @!p0 [tilespmem:s1], [sflag:$0xB], $0x40, s2, s0, $0xb8;
	[tilespmem:$0xD300] =	vst v63  }
0x139: {  	s0 =	simm.s32 @!p1 $0x9  }
0x13a: {  	_ =	swait.ge @!p1 [sflag:s0], $0x2000  }
0x13b: {  	s1 =	simm.s32 @!p1 $0x4300;
	s2 =	simm.s32 @!p1 $0x80;
	[sflag:s0] =	ssyncset.done @!p1 $0x0  }
0x13c: {  	p0 =	sge.u32 s11, s7;
	[sflag:s0] =	ssyncadd.s32 @!p1 $0xFFFFE000;
	s0 =	simm.s32 @!p1 $0x40  }
0x13d: {  	[tilespmem:s1], [sflag:$0x3] =	stream.strided.gather @!p1 [hbm4b:s17+s0], $0x2000, s2, s0, $0x38;
	[tilespmem:$0xD300] =	vst v63  }
0x13e: {  	s0 =	sadd.s32 @!p1 $0xFFFFFFF0, s15;
	s1 =	simm.s32 @!p1 $0x0;
	s2 =	simm.s32 @!p1 $0x100  }
0x13f: {  	[tilespmem:s2], [sflag:$0x3] =	stream.linear.gather @!p1 [hbm4b:s0+s1], $0x80, $0x38;
	[tilespmem:$0xD300] =	vst v63  }
0x140: {  	s0 =	simm.s32 @!p0 $0x6  }
0x141: {  	_ =	swait.ge @!p0 [sflag:s0], $0x2000  }
0x142: {  	[sflag:s0] =	ssyncset.done @!p0 $0x0  }
0x143: {  	s1 =	sadd.s32 @!p0 s12, s5;
	[sflag:s0] =	ssyncadd.s32 @!p0 $0xFFFFE000  }
0x144: {  	s2 =	simm.s32 @!p0 $0xA300;
	s1 =	sadd.s32 @!p0 $0x9, s1;
	_ =	swait.ge @!p0 [sflag:s0], $0x80  }
0x145: {  	p1 =	sge.u32 @!p0 s1, s7;
	s1 =	simm.s32 @!p0 $0x280;
	[sflag:s0] =	ssyncset.done @!p0 $0x0  }
0x146: {  	p1 =	por p1, p0;
	[sflag:s0] =	ssyncadd.s32 @!p0 $0xFFFFFF80;
	s0 =	simm.s32 @!p0 $0x80  }
0x147: {  	[spmem:s3] =	stream.indirect.scatter.add.f32 @!p0 [tilespmem:s2], [sflag:$0xC], $0x40, s1, s0, $0xb8;
	[tilespmem:$0xD300] =	vst v63  }
0x148: {  	s0 =	simm.s32 @!p1 $0xA  }
0x149: {  	_ =	swait.ge @!p1 [sflag:s0], $0x2000  }
0x14a: {  	s1 =	simm.s32 @!p1 $0x6300;
	[sflag:s0] =	ssyncset.done @!p1 $0x0  }
0x14b: {  	s2 =	simm.s32 @!p1 $0x40;
	[sflag:s0] =	ssyncadd.s32 @!p1 $0xFFFFE000;
	s0 =	simm.s32 @!p1 $0x80  }
0x14c: {  	[tilespmem:s1], [sflag:$0x4] =	stream.strided.gather @!p1 [hbm4b:s14+s2], $0x2000, s0, s2, $0x38;
	[tilespmem:$0xD300] =	vst v63  }
0x14d: {  	s22 =	simm.s32 $0x7;
	s0 =	simm.s32 @!p1 $0x0;
	s1 =	simm.s32 @!p1 $0x180  }
0x14e: {  	[tilespmem:s1], [sflag:$0x4] =	stream.linear.gather @!p1 [hbm4b:s15+s0], $0x80, $0x38;
	[tilespmem:$0xD300] =	vst v63  }
0x14f: {  	_ =	swait.ge [sflag:s22], $0x2000  }
0x150: {  	[sflag:s22] =	ssyncset.done $0x0  }
0x151: {  	s23 =	simm.s32 $0x8;
	[sflag:s22] =	ssyncadd.s32 $0xFFFFE000  }
0x152: {  	_ =	swait.ge [sflag:s23], $0x2000  }
0x153: {  	[sflag:s23] =	ssyncset.done $0x0  }
0x154: {  	s24 =	simm.s32 $0x9;
	[sflag:s23] =	ssyncadd.s32 $0xFFFFE000  }
0x155: {  	_ =	swait.ge [sflag:s24], $0x2000  }
0x156: {  	[sflag:s24] =	ssyncset.done $0x0  }
0x157: {  	s25 =	simm.s32 $0xA;
	[sflag:s24] =	ssyncadd.s32 $0xFFFFE000  }
0x158: {  	_ =	swait.ge [sflag:s25], $0x2000  }
0x159: {  	[sflag:s25] =	ssyncset.done $0x0  }
0x15a: {  	s26 =	simm.s32 $0xB;
	[sflag:s25] =	ssyncadd.s32 $0xFFFFE000  }
0x15b: {  	_ =	swait.ge [sflag:s26], $0x2000  }
0x15c: {  	[sflag:s26] =	ssyncset.done $0x0  }
0x15d: {  	s28 =	simm.s32 $0xC;
	[sflag:s26] =	ssyncadd.s32 $0xFFFFE000  }
0x15e: {  	_ =	swait.ge [sflag:s28], $0x2000  }
0x15f: {  	[sflag:s28] =	ssyncset.done $0x0  }
0x160: {  	[sflag:s28] =	ssyncadd.s32 $0xFFFFE000  }
0x161: {  	[bflag:$0x0] =	sbarrier.arrive $0xFFFF  }
0x162: {  	s6 =	simm.s32 $0xD;
	s4 =	simm.s32 $0xC300;
	s17 =	rddreg [dreg:$0x6]  }
0x163: {  	[tilespmem:s4], [sflag:$0xD] =	stream.linear.gather [spmem:s17], $0x800, $0x38;
	[tilespmem:$0xD300] =	vst v63  }
0x164: {  	_ =	swait.ge [sflag:s6], $0x800  }
0x165: {  	s10 =	simm.s32 $0x80;
	[sflag:s6] =	ssyncset.done $0x0  }
0x166: {  	s9 =	simm.s32 $0x40;
	s29 =	rddreg [dreg:$0xf];
	[sflag:s6] =	ssyncadd.s32 $0xFFFFF800  }
0x167: {  	[hbm4b:s29+s9] =	stream.strided.scatter [tilespmem:s4], [sflag:$0xD], $0x800, s10, s9, $0x38;
	[tilespmem:$0xD300] =	vst v63  }
0x168: {  	_ =	swait.ge [sflag:s6], $0x800  }
0x169: {  	s30 =	rddreg [dreg:$0x5]  }
0x16a: {  	s31 =	rddreg [dreg:$0x10];
	s16 =	sadd.s32 $0x1, s30  }
0x16b: {  	p0 =	sne.s32 s16, s31  }
.Ltmp2:
0x16c: {  	_ = 	snop;
	(pc) =	sbr.rel @p0 .LBB2_1-.Ltmp2, $3  }
0x16d: {  	_ =	sdelay $0x1  }
0x16e: {  	[sflag:s6] =	ssyncset.done $0x0  }
0x16f: {  	s1 =	smov.u32 s8;
	[sflag:s6] =	ssyncadd.s32 $0xFFFFF800  }
0x170: {  	_ =	sfence.sel $0x180000  }
0x171: {  	[bflag:$0x0] =	sbarrier.arrive $0xFFFF  }
0x172: {  	_ =	strace $0x90000047  }
0x173: {  	s0 =	stileid.u32;
	[bflag:$0x2] =	sbarrier.arrive $0xFFFF  }
0x174: {  	p0 =	sne.s32 s0, $0x0;
	s0 =	rddreg [dreg:$0x4]  }
0x175: {  	s0 =	sadd.s32 @!p0 $0x100000, s0  }
0x176: {  	[sflag:s0] =	ssyncadd.tile.s32 @!p0 $0x1;
	_ =	shalt  }
.Lfunc_end2:
_tile_overlayer_lowered:
.L_overlay_start_2:
0x177: {  	(tag) =	ssettag $0x2  }
0x178: {  	s0 =	rddreg [dreg:$0x0];
	s2 =	stileid.u32  }
0x179: {  	s1 =	rddreg [dreg:$0x1];
	p0 =	sne.s32 s2, $0x0  }
0x17a: {  	s3 =	rddreg [dreg:$0x2];
	[bflag:$0x3] =	sbarrier.arrive $0xFFFF;
	s2 =	simm.s32 @!p0 $0x1C0D  }
0x17b: {  	[timem:s3], [sflag:s2] =	dma.local @!p0 [hbm:s0], s1  }
0x17c: {  	s0 =	simm.s32 @!p0 $0xD  }
0x17d: {  	_ =	swait.ge @!p0 [sflag:s0], s1  }
0x17e: {  	s1 =	ssub.s32 @!p0 $0x0, s1;
	[sflag:s0] =	ssyncset.done @!p0 $0x0  }
0x17f: {  	[sflag:s0] =	ssyncadd.s32 @!p0 s1  }
0x180: {  	[bflag:$0x3] =	sbarrier.arrive $0xFFFF  }
0x181: {  	_ =	shalt  }

</sc_bundles>
